<compile_context>
chip_gen: v7x
topology: tpu7x:2x2x1
jax: 0.10.2.dev20260603
libtpu: 0.0.44.dev20260713+nightly
codegen_flags: <defaults>
</compile_context>

<pallas_src>
import functools

import jax
import jax.numpy as jnp
from jax import lax
from jax.experimental import pallas as pl
from jax.experimental.pallas import tpu as pltpu
from jax.experimental.pallas import tpu_sc as plsc

_VOCAB = 10000
_MAXLEN = 150
_DIM = 32
_BATCH = 4096

_GD = 8
_GP = 4
_DPW = _DIM // _GD
_PPW = 38
_LANES = 16
_NV = _BATCH // _LANES


def _emb_body(xT_hbm, tokT_hbm, posT_hbm, out_hbm,
              tab_v, posT_v, posb_v, idx_v, obuf_v, isem, wsem):
    wid = lax.axis_index("s") * 2 + lax.axis_index("c")
    dgrp = lax.rem(wid, _GD)
    pgrp = wid // _GD
    d0 = dgrp * _DPW
    p0 = pgrp * _PPW
    dblk = dgrp // 2
    dsub0 = lax.rem(dgrp, 2) * _DPW

    tab_cp = pltpu.async_copy(tokT_hbm.at[pl.ds(d0, _DPW)], tab_v, isem[0])
    pltpu.sync_copy(posT_hbm, posT_v)

    def pos_body(pi, _):
        p = p0 + pi
        pc = jnp.minimum(p, _MAXLEN - 1)
        base = (pc // _LANES) * _LANES
        psplat = jnp.full((_LANES,), pc - base, dtype=jnp.int32)
        for dd in range(_DPW):
            pv = posT_v[d0 + dd, pl.ds(base, _LANES)]
            pos_s = jax.lax.gather(
                pv,
                psplat[:, None],
                jax.lax.GatherDimensionNumbers(
                    offset_dims=(),
                    collapsed_slice_dims=(0,),
                    start_index_map=(0,),
                ),
                (1,),
                mode=jax.lax.GatherScatterMode.PROMISE_IN_BOUNDS,
            )
            posb_v[pi, dd, pl.ds(0, _LANES)] = pos_s
        return 0

    lax.fori_loop(0, _PPW, pos_body, 0)
    tab_cp.wait()

    def stage(pi, buf):
        pc = jnp.minimum(p0 + pi, _MAXLEN - 1)
        pltpu.async_copy(xT_hbm.at[pc], idx_v[buf], isem[buf])

    def process(pi, buf):
        p = p0 + pi
        pltpu.make_async_copy(xT_hbm.at[0], idx_v[buf], isem[buf]).wait()

        @pl.when((pi >= 2) & (p - 2 < _MAXLEN))
        def _():
            for dd in range(_DPW):
                pltpu.make_async_copy(
                    obuf_v[buf].at[dd],
                    out_hbm.at[0, 0, slice(None), 0, slice(None)],
                    wsem[buf],
                ).wait()

        pos_row = [posb_v[pi, dd, pl.ds(0, _LANES)] for dd in range(_DPW)]

        @plsc.parallel_loop(0, _NV, unroll=16)
        def v_body(v):
            iv = idx_v[buf][pl.ds(v * _LANES, _LANES)]
            bblk = v // 8
            off = lax.rem(v, 8) * _LANES
            for dd in range(_DPW):
                col = plsc.load_gather(tab_v.at[dd], [iv])
                obuf_v[buf][dd, bblk, pl.ds(off, _LANES)] = col + pos_row[dd]

        @pl.when(p < _MAXLEN)
        def _():
            for dd in range(_DPW):
                pltpu.async_copy(
                    obuf_v[buf].at[dd],
                    out_hbm.at[p, dblk, slice(None), dsub0 + dd, slice(None)],
                    wsem[buf],
                )

    stage(0, 0)
    stage(1, 1)

    def loop_body(i, _):
        for b in range(2):
            pi = 2 * i + b
            process(pi, b)

            @pl.when(pi + 2 < _PPW)
            def _():
                stage(pi + 2, b)
        return 0

    lax.fori_loop(0, _PPW // 2, loop_body, 0)

    for b in range(2):
        @pl.when(p0 + _PPW - 2 + b < _MAXLEN)
        def _(b=b):
            for dd in range(_DPW):
                pltpu.make_async_copy(
                    obuf_v[b].at[dd],
                    out_hbm.at[0, 0, slice(None), 0, slice(None)],
                    wsem[b],
                ).wait()


@jax.jit
def _emb_call(xT, tokT, posT):
    mesh = plsc.VectorSubcoreMesh(core_axis_name="c", subcore_axis_name="s")
    k = functools.partial(
        pl.kernel,
        mesh=mesh,
        out_type=jax.ShapeDtypeStruct(
            (_MAXLEN, _DIM // 8, _BATCH // 128, 8, 128), jnp.float32
        ),
        scratch_types=[
            pltpu.VMEM((_DPW, _VOCAB), jnp.float32),
            pltpu.VMEM((_DIM, 160), jnp.float32),
            pltpu.VMEM((_PPW, _DPW, _LANES), jnp.float32),
            [pltpu.VMEM((_BATCH,), jnp.int32) for _ in range(2)],
            [pltpu.VMEM((_DPW, _BATCH // 128, 128), jnp.float32) for _ in range(2)],
            [pltpu.SemaphoreType.DMA for _ in range(2)],
            [pltpu.SemaphoreType.DMA for _ in range(2)],
        ],
        compiler_params=pltpu.CompilerParams(
            use_tc_tiling_on_sc=False, needs_layout_passes=False
        ),
    )(_emb_body)
    return k(xT, tokT, posT)


def kernel(x, token_table, pos_table):
    xT = x.astype(jnp.int32).T
    tokT = token_table.T
    posT = jnp.pad(pos_table.T, ((0, 0), (0, 10)))
    out = _emb_call(xT, tokT, posT)
    return out.transpose(2, 4, 0, 1, 3).reshape(_BATCH, _MAXLEN, _DIM)

# --- scband reference (transcript-rebuilt; emitter-appended) ---
"""Pipeline reference for scband-emb-69466801045932 (READ-ONLY COPY).

The authoritative reference and input builder live on the scoring server;
editing this copy changes nothing except your own understanding.
"""

import jax, jax.numpy as jnp
import numpy as np

VOCAB = 10000
MAXLEN = 150
DIM = 32
BATCH = 4096


def setup_inputs(seed: int = 0) -> dict:
    key = jax.random.key(seed)
    k1, k2, k3 = jax.random.split(key, 3)
    x = jax.random.randint(k1, (BATCH, MAXLEN), 0, VOCAB, dtype=jnp.int64 if jax.config.jax_enable_x64 else jnp.int32)
    # Keras Embedding default init: uniform(-0.05, 0.05)
    token_table = jax.random.uniform(k2, (VOCAB, DIM), dtype=jnp.float32, minval=-0.05, maxval=0.05)
    pos_table = jax.random.uniform(k3, (MAXLEN, DIM), dtype=jnp.float32, minval=-0.05, maxval=0.05)
    return {"x": x, "token_table": token_table, "pos_table": pos_table}


def reference(x, token_table, pos_table):
    positions = jnp.arange(0, MAXLEN)
    pos_e = jnp.take(pos_table, positions, axis=0)          # [150, 32]
    tok_e = jnp.take(token_table, x, axis=0)                 # [B, 150, 32]
    return tok_e + pos_e[None, :, :]

if __name__ == "__main__":
    import jax
    _d = setup_inputs()
    print(jax.jit(kernel)(*tuple(_d.values())))

</pallas_src>

<mosaic_0001>
#map = affine_map<(d0, d1) -> (0, 0)>
#map1 = affine_map<(d0, d1) -> (0, 0, 0, 0, 0)>
module attributes {stable_mosaic.version = 14 : i64} {
  func.func @_emb_body(%arg0: i32, %arg1: i32, %arg2: memref<150x4096xi32, #tpu.memory_space<hbm>>, %arg3: memref<32x10000xf32, #tpu.memory_space<hbm>>, %arg4: memref<32x160xf32, #tpu.memory_space<hbm>>, %arg5: memref<150x4x32x8x128xf32, #tpu.memory_space<hbm>>, %arg6: memref<4x10000xf32, #tpu.memory_space<vmem>>, %arg7: memref<32x160xf32, #tpu.memory_space<vmem>>, %arg8: memref<38x4x16xf32, #tpu.memory_space<vmem>>, %arg9: memref<4096xi32, #tpu.memory_space<vmem>>, %arg10: memref<4096xi32, #tpu.memory_space<vmem>>, %arg11: memref<4x32x128xf32, #tpu.memory_space<vmem>>, %arg12: memref<4x32x128xf32, #tpu.memory_space<vmem>>, %arg13: memref<!tpu.dma_semaphore, #tpu.memory_space<semaphore_mem>>, %arg14: memref<!tpu.dma_semaphore, #tpu.memory_space<semaphore_mem>>, %arg15: memref<!tpu.dma_semaphore, #tpu.memory_space<semaphore_mem>>, %arg16: memref<!tpu.dma_semaphore, #tpu.memory_space<semaphore_mem>>) attributes {dimension_semantics = [#tpu.dimension_semantics<core_parallel>, #tpu.dimension_semantics<subcore_parallel>], iteration_bounds = array<i64: 2, 16>, scalar_prefetch = 0 : i64, scratch_operands = 11 : i64, tpu.core_type = #tpu.core_type<sc_vector_subcore>, window_params = [{transform_indices = #map}, {transform_indices = #map}, {transform_indices = #map}, {transform_indices = #map1}]} {
    %mul3A = arith.constant 2 : i32
    %mul3A_0 = arith.muli %arg1, %mul3A : i32
    %add3A = arith.addi %mul3A_0, %arg0 : i32
    %rem3A = arith.constant 8 : i32
    %rem3A_1 = arith.remsi %add3A, %rem3A : i32
    %jit3A = arith.constant 8 : i32
    %div3A = arith.divsi %add3A, %jit3A : i32
    %sign3A = arith.constant 0 : i32
    %sign3A_2 = arith.cmpi sgt, %add3A, %sign3A : i32
    %sign3A_3 = arith.extui %sign3A_2 : i1 to i32
    %sign3A_4 = arith.constant 0 : i32
    %sign3A_5 = arith.cmpi slt, %add3A, %sign3A_4 : i32
    %sign3A_6 = arith.extui %sign3A_5 : i1 to i32
    %sign3A_7 = arith.subi %sign3A_3, %sign3A_6 : i32
    %sign3A_8 = arith.constant 0 : i32
    %sign3A_9 = arith.cmpi sgt, %jit3A, %sign3A_8 : i32
    %sign3A_10 = arith.extui %sign3A_9 : i1 to i32
    %sign3A_11 = arith.constant 0 : i32
    %sign3A_12 = arith.cmpi slt, %jit3A, %sign3A_11 : i32
    %sign3A_13 = arith.extui %sign3A_12 : i1 to i32
    %sign3A_14 = arith.subi %sign3A_10, %sign3A_13 : i32
    %ne3A = arith.cmpi ne, %sign3A_7, %sign3A_14 : i32
    %rem3A_15 = arith.remsi %add3A, %jit3A : i32
    %ne3A_16 = arith.constant 0 : i32
    %ne3A_17 = arith.cmpi ne, %rem3A_15, %ne3A_16 : i32
    %and3A = arith.andi %ne3A, %ne3A_17 : i1
    %sub3A = arith.constant 1 : i32
    %sub3A_18 = arith.subi %div3A, %sub3A : i32
    %select_n3A = arith.select %and3A, %sub3A_18, %div3A : i32
    %mul3A_19 = arith.constant 4 : i32
    %mul3A_20 = arith.muli %rem3A_1, %mul3A_19 : i32
    %mul3A_21 = arith.constant 38 : i32
    %mul3A_22 = arith.muli %select_n3A, %mul3A_21 : i32
    %jit3A_23 = arith.constant 2 : i32
    %div3A_24 = arith.divsi %rem3A_1, %jit3A_23 : i32
    %sign3A_25 = arith.constant 0 : i32
    %sign3A_26 = arith.cmpi sgt, %rem3A_1, %sign3A_25 : i32
    %sign3A_27 = arith.extui %sign3A_26 : i1 to i32
    %sign3A_28 = arith.constant 0 : i32
    %sign3A_29 = arith.cmpi slt, %rem3A_1, %sign3A_28 : i32
    %sign3A_30 = arith.extui %sign3A_29 : i1 to i32
    %sign3A_31 = arith.subi %sign3A_27, %sign3A_30 : i32
    %sign3A_32 = arith.constant 0 : i32
    %sign3A_33 = arith.cmpi sgt, %jit3A_23, %sign3A_32 : i32
    %sign3A_34 = arith.extui %sign3A_33 : i1 to i32
    %sign3A_35 = arith.constant 0 : i32
    %sign3A_36 = arith.cmpi slt, %jit3A_23, %sign3A_35 : i32
    %sign3A_37 = arith.extui %sign3A_36 : i1 to i32
    %sign3A_38 = arith.subi %sign3A_34, %sign3A_37 : i32
    %ne3A_39 = arith.cmpi ne, %sign3A_31, %sign3A_38 : i32
    %rem3A_40 = arith.remsi %rem3A_1, %jit3A_23 : i32
    %ne3A_41 = arith.constant 0 : i32
    %ne3A_42 = arith.cmpi ne, %rem3A_40, %ne3A_41 : i32
    %and3A_43 = arith.andi %ne3A_39, %ne3A_42 : i1
    %sub3A_44 = arith.constant 1 : i32
    %sub3A_45 = arith.subi %div3A_24, %sub3A_44 : i32
    %select_n3A_46 = arith.select %and3A_43, %sub3A_45, %div3A_24 : i32
    %rem3A_47 = arith.constant 2 : i32
    %rem3A_48 = arith.remsi %rem3A_1, %rem3A_47 : i32
    %mul3A_49 = arith.constant 4 : i32
    %mul3A_50 = arith.muli %rem3A_48, %mul3A_49 : i32
    %dma_start3A = arith.constant 0 : i32
    %dma_start3A_51 = tpu.memref_slice %arg3[%mul3A_20, %dma_start3A] : memref<32x10000xf32, #tpu.memory_space<hbm>> -> memref<4x10000xf32, #tpu.memory_space<hbm>>
    %dma_start3A_52 = arith.constant 0 : i32
    %dma_start3A_53 = tpu.memref_slice %arg3[%mul3A_20, %dma_start3A_52] : memref<32x10000xf32, #tpu.memory_space<hbm>> -> memref<4x10000xf32, #tpu.memory_space<hbm>>
    tpu.enqueue_dma source(%dma_start3A_53 : memref<4x10000xf32, #tpu.memory_space<hbm>>) target(%arg6 : memref<4x10000xf32, #tpu.memory_space<vmem>>) target_semaphore(%arg13 : memref<!tpu.dma_semaphore, #tpu.memory_space<semaphore_mem>>)
    "tpu.region"() ({
      %run_scoped3A = tpu.sem_alloc : memref<!tpu.dma_semaphore, #tpu.memory_space<semaphore_mem>>
      tpu.enqueue_dma source(%arg4 : memref<32x160xf32, #tpu.memory_space<hbm>>) target(%arg7 : memref<32x160xf32, #tpu.memory_space<vmem>>) target_semaphore(%run_scoped3A : memref<!tpu.dma_semaphore, #tpu.memory_space<semaphore_mem>>)
      tpu.wait_dma2 semaphore(%run_scoped3A : memref<!tpu.dma_semaphore, #tpu.memory_space<semaphore_mem>>) src(%arg4 : memref<32x160xf32, #tpu.memory_space<hbm>>) dst(%arg7 : memref<32x160xf32, #tpu.memory_space<vmem>>)
      tpu.yield
    }) : () -> ()
    %scan3A = arith.constant 0 : i32
    %scan3A_54 = arith.constant 0 : i32
    %scan3A_55 = arith.constant 38 : i32
    %scan3A_56 = arith.addi %scan3A_54, %scan3A_55 : i32
    %scan3A_57 = arith.constant 1 : i32
    %scan3A_58 = scf.for %scan3A_108 = %scan3A_54 to %scan3A_56 step %scan3A_57 iter_args(%scan3A_109 = %scan3A) -> (i32)  : i32 {
      %add3A_110 = arith.addi %mul3A_22, %scan3A_108 : i32
      %min3A_111 = arith.constant 149 : i32
      %min3A_112 = arith.minsi %add3A_110, %min3A_111 : i32
      %jit3A_113 = arith.constant 16 : i32
      %div3A_114 = arith.divsi %min3A_112, %jit3A_113 : i32
      %sign3A_115 = arith.constant 0 : i32
      %sign3A_116 = arith.cmpi sgt, %min3A_112, %sign3A_115 : i32
      %sign3A_117 = arith.extui %sign3A_116 : i1 to i32
      %sign3A_118 = arith.constant 0 : i32
      %sign3A_119 = arith.cmpi slt, %min3A_112, %sign3A_118 : i32
      %sign3A_120 = arith.extui %sign3A_119 : i1 to i32
      %sign3A_121 = arith.subi %sign3A_117, %sign3A_120 : i32
      %sign3A_122 = arith.constant 0 : i32
      %sign3A_123 = arith.cmpi sgt, %jit3A_113, %sign3A_122 : i32
      %sign3A_124 = arith.extui %sign3A_123 : i1 to i32
      %sign3A_125 = arith.constant 0 : i32
      %sign3A_126 = arith.cmpi slt, %jit3A_113, %sign3A_125 : i32
      %sign3A_127 = arith.extui %sign3A_126 : i1 to i32
      %sign3A_128 = arith.subi %sign3A_124, %sign3A_127 : i32
      %ne3A_129 = arith.cmpi ne, %sign3A_121, %sign3A_128 : i32
      %rem3A_130 = arith.remsi %min3A_112, %jit3A_113 : i32
      %ne3A_131 = arith.constant 0 : i32
      %ne3A_132 = arith.cmpi ne, %rem3A_130, %ne3A_131 : i32
      %and3A_133 = arith.andi %ne3A_129, %ne3A_132 : i1
      %sub3A_134 = arith.constant 1 : i32
      %sub3A_135 = arith.subi %div3A_114, %sub3A_134 : i32
      %select_n3A_136 = arith.select %and3A_133, %sub3A_135, %div3A_114 : i32
      %mul3A_137 = arith.constant 16 : i32
      %mul3A_138 = arith.muli %select_n3A_136, %mul3A_137 : i32
      %sub3A_139 = arith.subi %min3A_112, %mul3A_138 : i32
      %broadcast_in_dim3A = vector.broadcast %sub3A_139 : i32 to vector<16xi32>
      %add3A_140 = arith.constant 0 : i32
      %add3A_141 = arith.addi %mul3A_20, %add3A_140 : i32
      %get3A = arith.index_cast %add3A_141 : i32 to index
      %get3A_142 = arith.index_cast %mul3A_138 : i32 to index
      %get3A_143 = tpu.vector_load %arg7[%get3A, %get3A_142] {strides = array<i32>} : memref<32x160xf32, #tpu.memory_space<vmem>>, vector<16xf32>,
      %broadcast_in_dim3A_144 = vector.shape_cast %broadcast_in_dim3A : vector<16xi32> to vector<16x1xi32>
      %gather3A = vector.shape_cast %broadcast_in_dim3A_144 : vector<16x1xi32> to vector<16xi32>
      %gather3A_145 = tpu.dynamic_gather %get3A_143[%gather3A] in [0] : vector<16xf32>, vector<16xi32> -> vector<16xf32>
      %swap3A = arith.constant 0 : i32
      %swap3A_146 = arith.index_cast %scan3A_108 : i32 to index
      %swap3A_147 = arith.index_cast %swap3A : i32 to index
      %swap3A_148 = arith.constant 0 : index
      %swap3A_149 = tpu.vector_load %arg8[%swap3A_146, %swap3A_147, %swap3A_148] {strides = array<i32>} : memref<38x4x16xf32, #tpu.memory_space<vmem>>, vector<16xf32>,
      tpu.vector_store %arg8[%swap3A_146, %swap3A_147, %swap3A_148], %gather3A_145 {strides = array<i32>} : memref<38x4x16xf32, #tpu.memory_space<vmem>>, vector<16xf32>,
      %add3A_150 = arith.constant 1 : i32
      %add3A_151 = arith.addi %mul3A_20, %add3A_150 : i32
      %get3A_152 = arith.index_cast %add3A_151 : i32 to index
      %get3A_153 = arith.index_cast %mul3A_138 : i32 to index
      %get3A_154 = tpu.vector_load %arg7[%get3A_152, %get3A_153] {strides = array<i32>} : memref<32x160xf32, #tpu.memory_space<vmem>>, vector<16xf32>,
      %broadcast_in_dim3A_155 = vector.shape_cast %broadcast_in_dim3A : vector<16xi32> to vector<16x1xi32>
      %gather3A_156 = vector.shape_cast %broadcast_in_dim3A_155 : vector<16x1xi32> to vector<16xi32>
      %gather3A_157 = tpu.dynamic_gather %get3A_154[%gather3A_156] in [0] : vector<16xf32>, vector<16xi32> -> vector<16xf32>
      %swap3A_158 = arith.constant 1 : i32
      %swap3A_159 = arith.index_cast %scan3A_108 : i32 to index
      %swap3A_160 = arith.index_cast %swap3A_158 : i32 to index
      %swap3A_161 = arith.constant 0 : index
      %swap3A_162 = tpu.vector_load %arg8[%swap3A_159, %swap3A_160, %swap3A_161] {strides = array<i32>} : memref<38x4x16xf32, #tpu.memory_space<vmem>>, vector<16xf32>,
      tpu.vector_store %arg8[%swap3A_159, %swap3A_160, %swap3A_161], %gather3A_157 {strides = array<i32>} : memref<38x4x16xf32, #tpu.memory_space<vmem>>, vector<16xf32>,
      %add3A_163 = arith.constant 2 : i32
      %add3A_164 = arith.addi %mul3A_20, %add3A_163 : i32
      %get3A_165 = arith.index_cast %add3A_164 : i32 to index
      %get3A_166 = arith.index_cast %mul3A_138 : i32 to index
      %get3A_167 = tpu.vector_load %arg7[%get3A_165, %get3A_166] {strides = array<i32>} : memref<32x160xf32, #tpu.memory_space<vmem>>, vector<16xf32>,
      %broadcast_in_dim3A_168 = vector.shape_cast %broadcast_in_dim3A : vector<16xi32> to vector<16x1xi32>
      %gather3A_169 = vector.shape_cast %broadcast_in_dim3A_168 : vector<16x1xi32> to vector<16xi32>
      %gather3A_170 = tpu.dynamic_gather %get3A_167[%gather3A_169] in [0] : vector<16xf32>, vector<16xi32> -> vector<16xf32>
      %swap3A_171 = arith.constant 2 : i32
      %swap3A_172 = arith.index_cast %scan3A_108 : i32 to index
      %swap3A_173 = arith.index_cast %swap3A_171 : i32 to index
      %swap3A_174 = arith.constant 0 : index
      %swap3A_175 = tpu.vector_load %arg8[%swap3A_172, %swap3A_173, %swap3A_174] {strides = array<i32>} : memref<38x4x16xf32, #tpu.memory_space<vmem>>, vector<16xf32>,
      tpu.vector_store %arg8[%swap3A_172, %swap3A_173, %swap3A_174], %gather3A_170 {strides = array<i32>} : memref<38x4x16xf32, #tpu.memory_space<vmem>>, vector<16xf32>,
      %add3A_176 = arith.constant 3 : i32
      %add3A_177 = arith.addi %mul3A_20, %add3A_176 : i32
      %get3A_178 = arith.index_cast %add3A_177 : i32 to index
      %get3A_179 = arith.index_cast %mul3A_138 : i32 to index
      %get3A_180 = tpu.vector_load %arg7[%get3A_178, %get3A_179] {strides = array<i32>} : memref<32x160xf32, #tpu.memory_space<vmem>>, vector<16xf32>,
      %broadcast_in_dim3A_181 = vector.shape_cast %broadcast_in_dim3A : vector<16xi32> to vector<16x1xi32>
      %gather3A_182 = vector.shape_cast %broadcast_in_dim3A_181 : vector<16x1xi32> to vector<16xi32>
      %gather3A_183 = tpu.dynamic_gather %get3A_180[%gather3A_182] in [0] : vector<16xf32>, vector<16xi32> -> vector<16xf32>
      %swap3A_184 = arith.constant 3 : i32
      %swap3A_185 = arith.index_cast %scan3A_108 : i32 to index
      %swap3A_186 = arith.index_cast %swap3A_184 : i32 to index
      %swap3A_187 = arith.constant 0 : index
      %swap3A_188 = tpu.vector_load %arg8[%swap3A_185, %swap3A_186, %swap3A_187] {strides = array<i32>} : memref<38x4x16xf32, #tpu.memory_space<vmem>>, vector<16xf32>,
      tpu.vector_store %arg8[%swap3A_185, %swap3A_186, %swap3A_187], %gather3A_183 {strides = array<i32>} : memref<38x4x16xf32, #tpu.memory_space<vmem>>, vector<16xf32>,
      %scan3A_189 = arith.constant 0 : i32
      scf.yield %scan3A_189 : i32
    }
    %scan3A_59 = arith.constant 38 : i32
    %dma_wait3A = arith.constant 0 : i32
    %dma_wait3A_60 = tpu.memref_slice %arg3[%mul3A_20, %dma_wait3A] : memref<32x10000xf32, #tpu.memory_space<hbm>> -> memref<4x10000xf32, #tpu.memory_space<hbm>>
    %dma_wait3A_61 = arith.constant 0 : i32
    %dma_wait3A_62 = tpu.memref_slice %arg3[%mul3A_20, %dma_wait3A_61] : memref<32x10000xf32, #tpu.memory_space<hbm>> -> memref<4x10000xf32, #tpu.memory_space<hbm>>
    tpu.wait_dma2 semaphore(%arg13 : memref<!tpu.dma_semaphore, #tpu.memory_space<semaphore_mem>>) src(%dma_wait3A_62 : memref<4x10000xf32, #tpu.memory_space<hbm>>) dst(%arg6 : memref<4x10000xf32, #tpu.memory_space<vmem>>)
    %add3A_63 = arith.constant 0 : i32
    %add3A_64 = arith.addi %mul3A_22, %add3A_63 : i32
    %min3A = arith.constant 149 : i32
    %min3A_65 = arith.minsi %add3A_64, %min3A : i32
    %dma_start3A_66 = arith.constant 0 : i32
    %dma_start3A_67 = tpu.memref_slice %arg2[%min3A_65, %dma_start3A_66] : memref<150x4096xi32, #tpu.memory_space<hbm>> -> memref<1x4096xi32, #tpu.memory_space<hbm>>
    %dma_start3A_68 = tpu.memref_squeeze %dma_start3A_67 : memref<1x4096xi32, #tpu.memory_space<hbm>> -> memref<4096xi32, #tpu.memory_space<hbm>>
    %dma_start3A_69 = arith.constant 0 : i32
    %dma_start3A_70 = tpu.memref_slice %arg2[%min3A_65, %dma_start3A_69] : memref<150x4096xi32, #tpu.memory_space<hbm>> -> memref<1x4096xi32, #tpu.memory_space<hbm>>
    %dma_start3A_71 = tpu.memref_squeeze %dma_start3A_70 : memref<1x4096xi32, #tpu.memory_space<hbm>> -> memref<4096xi32, #tpu.memory_space<hbm>>
    tpu.enqueue_dma source(%dma_start3A_71 : memref<4096xi32, #tpu.memory_space<hbm>>) target(%arg9 : memref<4096xi32, #tpu.memory_space<vmem>>) target_semaphore(%arg13 : memref<!tpu.dma_semaphore, #tpu.memory_space<semaphore_mem>>)
    %add3A_72 = arith.constant 1 : i32
    %add3A_73 = arith.addi %mul3A_22, %add3A_72 : i32
    %min3A_74 = arith.constant 149 : i32
    %min3A_75 = arith.minsi %add3A_73, %min3A_74 : i32
    %dma_start3A_76 = arith.constant 0 : i32
    %dma_start3A_77 = tpu.memref_slice %arg2[%min3A_75, %dma_start3A_76] : memref<150x4096xi32, #tpu.memory_space<hbm>> -> memref<1x4096xi32, #tpu.memory_space<hbm>>
    %dma_start3A_78 = tpu.memref_squeeze %dma_start3A_77 : memref<1x4096xi32, #tpu.memory_space<hbm>> -> memref<4096xi32, #tpu.memory_space<hbm>>
    %dma_start3A_79 = arith.constant 0 : i32
    %dma_start3A_80 = tpu.memref_slice %arg2[%min3A_75, %dma_start3A_79] : memref<150x4096xi32, #tpu.memory_space<hbm>> -> memref<1x4096xi32, #tpu.memory_space<hbm>>
    %dma_start3A_81 = tpu.memref_squeeze %dma_start3A_80 : memref<1x4096xi32, #tpu.memory_space<hbm>> -> memref<4096xi32, #tpu.memory_space<hbm>>
    tpu.enqueue_dma source(%dma_start3A_81 : memref<4096xi32, #tpu.memory_space<hbm>>) target(%arg10 : memref<4096xi32, #tpu.memory_space<vmem>>) target_semaphore(%arg14 : memref<!tpu.dma_semaphore, #tpu.memory_space<semaphore_mem>>)
    %scan3A_82 = arith.constant 0 : i32
    %scan3A_83 = arith.constant 0 : i32
    %scan3A_84 = arith.constant 19 : i32
    %scan3A_85 = arith.addi %scan3A_83, %scan3A_84 : i32
    %scan3A_86 = arith.constant 1 : i32
    %scan3A_87 = scf.for %scan3A_108 = %scan3A_83 to %scan3A_85 step %scan3A_86 iter_args(%scan3A_109 = %scan3A_82) -> (i32)  : i32 {
      %mul3A_110 = arith.constant 2 : i32
      %mul3A_111 = arith.muli %mul3A_110, %scan3A_108 : i32
      %add3A_112 = arith.constant 0 : i32
      %add3A_113 = arith.addi %mul3A_111, %add3A_112 : i32
      %add3A_114 = arith.addi %mul3A_22, %add3A_113 : i32
      %dma_wait3A_115 = arith.constant 0 : i32
      %dma_wait3A_116 = arith.constant 0 : i32
      %dma_wait3A_117 = tpu.memref_slice %arg2[%dma_wait3A_115, %dma_wait3A_116] : memref<150x4096xi32, #tpu.memory_space<hbm>> -> memref<1x4096xi32, #tpu.memory_space<hbm>>
      %dma_wait3A_118 = tpu.memref_squeeze %dma_wait3A_117 : memref<1x4096xi32, #tpu.memory_space<hbm>> -> memref<4096xi32, #tpu.memory_space<hbm>>
      %dma_wait3A_119 = arith.constant 0 : i32
      %dma_wait3A_120 = tpu.memref_slice %arg2[%dma_wait3A_115, %dma_wait3A_119] : memref<150x4096xi32, #tpu.memory_space<hbm>> -> memref<1x4096xi32, #tpu.memory_space<hbm>>
      %dma_wait3A_121 = tpu.memref_squeeze %dma_wait3A_120 : memref<1x4096xi32, #tpu.memory_space<hbm>> -> memref<4096xi32, #tpu.memory_space<hbm>>
      tpu.wait_dma2 semaphore(%arg13 : memref<!tpu.dma_semaphore, #tpu.memory_space<semaphore_mem>>) src(%dma_wait3A_121 : memref<4096xi32, #tpu.memory_space<hbm>>) dst(%arg9 : memref<4096xi32, #tpu.memory_space<vmem>>)
      %ge3A = arith.constant 2 : i32
      %ge3A_122 = arith.cmpi sge, %add3A_113, %ge3A : i32
      %sub3A_123 = arith.constant 2 : i32
      %sub3A_124 = arith.subi %add3A_114, %sub3A_123 : i32
      %lt3A_125 = arith.constant 150 : i32
      %lt3A_126 = arith.cmpi slt, %sub3A_124, %lt3A_125 : i32
      %and3A_127 = arith.andi %ge3A_122, %lt3A_126 : i1
      %convert_element_type3A_128 = arith.extui %and3A_127 : i1 to i32
      %cond3A_129 = arith.constant 0 : i32
      %cond3A_130 = arith.cmpi ne, %convert_element_type3A_128, %cond3A_129 : i32
      scf.if %cond3A_130 {
        %dma_wait3A_222 = arith.constant 0 : i32
        %dma_wait3A_223 = arith.constant 0 : i32
        %dma_wait3A_224 = arith.constant 0 : i32
        %dma_wait3A_225 = arith.constant 0 : i32
        %dma_wait3A_226 = arith.constant 0 : i32
        %dma_wait3A_227 = arith.constant 0 : i32
        %dma_wait3A_228 = tpu.memref_slice %arg11[%dma_wait3A_222, %dma_wait3A_226, %dma_wait3A_227] : memref<4x32x128xf32, #tpu.memory_space<vmem>> -> memref<1x32x128xf32, #tpu.memory_space<vmem>>
        %dma_wait3A_229 = tpu.memref_squeeze %dma_wait3A_228 : memref<1x32x128xf32, #tpu.memory_space<vmem>> -> memref<32x128xf32, #tpu.memory_space<vmem>>
        %dma_wait3A_230 = arith.constant 0 : i32
        %dma_wait3A_231 = arith.constant 0 : i32
        %dma_wait3A_232 = tpu.memref_slice %arg5[%dma_wait3A_223, %dma_wait3A_224, %dma_wait3A_230, %dma_wait3A_225, %dma_wait3A_231] : memref<150x4x32x8x128xf32, #tpu.memory_space<hbm>> -> memref<1x1x32x1x128xf32, #tpu.memory_space<hbm>>
        %dma_wait3A_233 = tpu.memref_squeeze %dma_wait3A_232 : memref<1x1x32x1x128xf32, #tpu.memory_space<hbm>> -> memref<32x128xf32, #tpu.memory_space<hbm>>
        %dma_wait3A_234 = arith.constant 0 : i32
        %dma_wait3A_235 = arith.constant 0 : i32
        %dma_wait3A_236 = tpu.memref_slice %arg5[%dma_wait3A_223, %dma_wait3A_224, %dma_wait3A_234, %dma_wait3A_225, %dma_wait3A_235] : memref<150x4x32x8x128xf32, #tpu.memory_space<hbm>> -> memref<1x1x32x1x128xf32, #tpu.memory_space<hbm>>
        %dma_wait3A_237 = tpu.memref_squeeze %dma_wait3A_236 : memref<1x1x32x1x128xf32, #tpu.memory_space<hbm>> -> memref<32x128xf32, #tpu.memory_space<hbm>>
        %dma_wait3A_238 = arith.constant 0 : i32
        %dma_wait3A_239 = arith.constant 0 : i32
        %dma_wait3A_240 = tpu.memref_slice %arg11[%dma_wait3A_222, %dma_wait3A_238, %dma_wait3A_239] : memref<4x32x128xf32, #tpu.memory_space<vmem>> -> memref<1x32x128xf32, #tpu.memory_space<vmem>>
        %dma_wait3A_241 = tpu.memref_squeeze %dma_wait3A_240 : memref<1x32x128xf32, #tpu.memory_space<vmem>> -> memref<32x128xf32, #tpu.memory_space<vmem>>
        tpu.wait_dma2 semaphore(%arg15 : memref<!tpu.dma_semaphore, #tpu.memory_space<semaphore_mem>>) src(%dma_wait3A_241 : memref<32x128xf32, #tpu.memory_space<vmem>>) dst(%dma_wait3A_237 : memref<32x128xf32, #tpu.memory_space<hbm>>)
        %dma_wait3A_242 = arith.constant 1 : i32
        %dma_wait3A_243 = arith.constant 0 : i32
        %dma_wait3A_244 = arith.constant 0 : i32
        %dma_wait3A_245 = arith.constant 0 : i32
        %dma_wait3A_246 = arith.constant 0 : i32
        %dma_wait3A_247 = arith.constant 0 : i32
        %dma_wait3A_248 = tpu.memref_slice %arg11[%dma_wait3A_242, %dma_wait3A_246, %dma_wait3A_247] : memref<4x32x128xf32, #tpu.memory_space<vmem>> -> memref<1x32x128xf32, #tpu.memory_space<vmem>>
        %dma_wait3A_249 = tpu.memref_squeeze %dma_wait3A_248 : memref<1x32x128xf32, #tpu.memory_space<vmem>> -> memref<32x128xf32, #tpu.memory_space<vmem>>
        %dma_wait3A_250 = arith.constant 0 : i32
        %dma_wait3A_251 = arith.constant 0 : i32
        %dma_wait3A_252 = tpu.memref_slice %arg5[%dma_wait3A_243, %dma_wait3A_244, %dma_wait3A_250, %dma_wait3A_245, %dma_wait3A_251] : memref<150x4x32x8x128xf32, #tpu.memory_space<hbm>> -> memref<1x1x32x1x128xf32, #tpu.memory_space<hbm>>
        %dma_wait3A_253 = tpu.memref_squeeze %dma_wait3A_252 : memref<1x1x32x1x128xf32, #tpu.memory_space<hbm>> -> memref<32x128xf32, #tpu.memory_space<hbm>>
        %dma_wait3A_254 = arith.constant 0 : i32
        %dma_wait3A_255 = arith.constant 0 : i32
        %dma_wait3A_256 = tpu.memref_slice %arg5[%dma_wait3A_243, %dma_wait3A_244, %dma_wait3A_254, %dma_wait3A_245, %dma_wait3A_255] : memref<150x4x32x8x128xf32, #tpu.memory_space<hbm>> -> memref<1x1x32x1x128xf32, #tpu.memory_space<hbm>>
        %dma_wait3A_257 = tpu.memref_squeeze %dma_wait3A_256 : memref<1x1x32x1x128xf32, #tpu.memory_space<hbm>> -> memref<32x128xf32, #tpu.memory_space<hbm>>
        %dma_wait3A_258 = arith.constant 0 : i32
        %dma_wait3A_259 = arith.constant 0 : i32
        %dma_wait3A_260 = tpu.memref_slice %arg11[%dma_wait3A_242, %dma_wait3A_258, %dma_wait3A_259] : memref<4x32x128xf32, #tpu.memory_space<vmem>> -> memref<1x32x128xf32, #tpu.memory_space<vmem>>
        %dma_wait3A_261 = tpu.memref_squeeze %dma_wait3A_260 : memref<1x32x128xf32, #tpu.memory_space<vmem>> -> memref<32x128xf32, #tpu.memory_space<vmem>>
        tpu.wait_dma2 semaphore(%arg15 : memref<!tpu.dma_semaphore, #tpu.memory_space<semaphore_mem>>) src(%dma_wait3A_261 : memref<32x128xf32, #tpu.memory_space<vmem>>) dst(%dma_wait3A_257 : memref<32x128xf32, #tpu.memory_space<hbm>>)
        %dma_wait3A_262 = arith.constant 2 : i32
        %dma_wait3A_263 = arith.constant 0 : i32
        %dma_wait3A_264 = arith.constant 0 : i32
        %dma_wait3A_265 = arith.constant 0 : i32
        %dma_wait3A_266 = arith.constant 0 : i32
        %dma_wait3A_267 = arith.constant 0 : i32
        %dma_wait3A_268 = tpu.memref_slice %arg11[%dma_wait3A_262, %dma_wait3A_266, %dma_wait3A_267] : memref<4x32x128xf32, #tpu.memory_space<vmem>> -> memref<1x32x128xf32, #tpu.memory_space<vmem>>
        %dma_wait3A_269 = tpu.memref_squeeze %dma_wait3A_268 : memref<1x32x128xf32, #tpu.memory_space<vmem>> -> memref<32x128xf32, #tpu.memory_space<vmem>>
        %dma_wait3A_270 = arith.constant 0 : i32
        %dma_wait3A_271 = arith.constant 0 : i32
        %dma_wait3A_272 = tpu.memref_slice %arg5[%dma_wait3A_263, %dma_wait3A_264, %dma_wait3A_270, %dma_wait3A_265, %dma_wait3A_271] : memref<150x4x32x8x128xf32, #tpu.memory_space<hbm>> -> memref<1x1x32x1x128xf32, #tpu.memory_space<hbm>>
        %dma_wait3A_273 = tpu.memref_squeeze %dma_wait3A_272 : memref<1x1x32x1x128xf32, #tpu.memory_space<hbm>> -> memref<32x128xf32, #tpu.memory_space<hbm>>
        %dma_wait3A_274 = arith.constant 0 : i32
        %dma_wait3A_275 = arith.constant 0 : i32
        %dma_wait3A_276 = tpu.memref_slice %arg5[%dma_wait3A_263, %dma_wait3A_264, %dma_wait3A_274, %dma_wait3A_265, %dma_wait3A_275] : memref<150x4x32x8x128xf32, #tpu.memory_space<hbm>> -> memref<1x1x32x1x128xf32, #tpu.memory_space<hbm>>
        %dma_wait3A_277 = tpu.memref_squeeze %dma_wait3A_276 : memref<1x1x32x1x128xf32, #tpu.memory_space<hbm>> -> memref<32x128xf32, #tpu.memory_space<hbm>>
        %dma_wait3A_278 = arith.constant 0 : i32
        %dma_wait3A_279 = arith.constant 0 : i32
        %dma_wait3A_280 = tpu.memref_slice %arg11[%dma_wait3A_262, %dma_wait3A_278, %dma_wait3A_279] : memref<4x32x128xf32, #tpu.memory_space<vmem>> -> memref<1x32x128xf32, #tpu.memory_space<vmem>>
        %dma_wait3A_281 = tpu.memref_squeeze %dma_wait3A_280 : memref<1x32x128xf32, #tpu.memory_space<vmem>> -> memref<32x128xf32, #tpu.memory_space<vmem>>
        tpu.wait_dma2 semaphore(%arg15 : memref<!tpu.dma_semaphore, #tpu.memory_space<semaphore_mem>>) src(%dma_wait3A_281 : memref<32x128xf32, #tpu.memory_space<vmem>>) dst(%dma_wait3A_277 : memref<32x128xf32, #tpu.memory_space<hbm>>)
        %dma_wait3A_282 = arith.constant 3 : i32
        %dma_wait3A_283 = arith.constant 0 : i32
        %dma_wait3A_284 = arith.constant 0 : i32
        %dma_wait3A_285 = arith.constant 0 : i32
        %dma_wait3A_286 = arith.constant 0 : i32
        %dma_wait3A_287 = arith.constant 0 : i32
        %dma_wait3A_288 = tpu.memref_slice %arg11[%dma_wait3A_282, %dma_wait3A_286, %dma_wait3A_287] : memref<4x32x128xf32, #tpu.memory_space<vmem>> -> memref<1x32x128xf32, #tpu.memory_space<vmem>>
        %dma_wait3A_289 = tpu.memref_squeeze %dma_wait3A_288 : memref<1x32x128xf32, #tpu.memory_space<vmem>> -> memref<32x128xf32, #tpu.memory_space<vmem>>
        %dma_wait3A_290 = arith.constant 0 : i32
        %dma_wait3A_291 = arith.constant 0 : i32
        %dma_wait3A_292 = tpu.memref_slice %arg5[%dma_wait3A_283, %dma_wait3A_284, %dma_wait3A_290, %dma_wait3A_285, %dma_wait3A_291] : memref<150x4x32x8x128xf32, #tpu.memory_space<hbm>> -> memref<1x1x32x1x128xf32, #tpu.memory_space<hbm>>
        %dma_wait3A_293 = tpu.memref_squeeze %dma_wait3A_292 : memref<1x1x32x1x128xf32, #tpu.memory_space<hbm>> -> memref<32x128xf32, #tpu.memory_space<hbm>>
        %dma_wait3A_294 = arith.constant 0 : i32
        %dma_wait3A_295 = arith.constant 0 : i32
        %dma_wait3A_296 = tpu.memref_slice %arg5[%dma_wait3A_283, %dma_wait3A_284, %dma_wait3A_294, %dma_wait3A_285, %dma_wait3A_295] : memref<150x4x32x8x128xf32, #tpu.memory_space<hbm>> -> memref<1x1x32x1x128xf32, #tpu.memory_space<hbm>>
        %dma_wait3A_297 = tpu.memref_squeeze %dma_wait3A_296 : memref<1x1x32x1x128xf32, #tpu.memory_space<hbm>> -> memref<32x128xf32, #tpu.memory_space<hbm>>
        %dma_wait3A_298 = arith.constant 0 : i32
        %dma_wait3A_299 = arith.constant 0 : i32
        %dma_wait3A_300 = tpu.memref_slice %arg11[%dma_wait3A_282, %dma_wait3A_298, %dma_wait3A_299] : memref<4x32x128xf32, #tpu.memory_space<vmem>> -> memref<1x32x128xf32, #tpu.memory_space<vmem>>
        %dma_wait3A_301 = tpu.memref_squeeze %dma_wait3A_300 : memref<1x32x128xf32, #tpu.memory_space<vmem>> -> memref<32x128xf32, #tpu.memory_space<vmem>>
        tpu.wait_dma2 semaphore(%arg15 : memref<!tpu.dma_semaphore, #tpu.memory_space<semaphore_mem>>) src(%dma_wait3A_301 : memref<32x128xf32, #tpu.memory_space<vmem>>) dst(%dma_wait3A_297 : memref<32x128xf32, #tpu.memory_space<hbm>>)
      } else {
      }
      %get3A = arith.constant 0 : i32
      %get3A_131 = arith.index_cast %add3A_113 : i32 to index
      %get3A_132 = arith.index_cast %get3A : i32 to index
      %get3A_133 = arith.constant 0 : index
      %get3A_134 = tpu.vector_load %arg8[%get3A_131, %get3A_132, %get3A_133] {strides = array<i32>} : memref<38x4x16xf32, #tpu.memory_space<vmem>>, vector<16xf32>,
      %get3A_135 = arith.constant 1 : i32
      %get3A_136 = arith.index_cast %add3A_113 : i32 to index
      %get3A_137 = arith.index_cast %get3A_135 : i32 to index
      %get3A_138 = arith.constant 0 : index
      %get3A_139 = tpu.vector_load %arg8[%get3A_136, %get3A_137, %get3A_138] {strides = array<i32>} : memref<38x4x16xf32, #tpu.memory_space<vmem>>, vector<16xf32>,
      %get3A_140 = arith.constant 2 : i32
      %get3A_141 = arith.index_cast %add3A_113 : i32 to index
      %get3A_142 = arith.index_cast %get3A_140 : i32 to index
      %get3A_143 = arith.constant 0 : index
      %get3A_144 = tpu.vector_load %arg8[%get3A_141, %get3A_142, %get3A_143] {strides = array<i32>} : memref<38x4x16xf32, #tpu.memory_space<vmem>>, vector<16xf32>,
      %get3A_145 = arith.constant 3 : i32
      %get3A_146 = arith.index_cast %add3A_113 : i32 to index
      %get3A_147 = arith.index_cast %get3A_145 : i32 to index
      %get3A_148 = arith.constant 0 : index
      %get3A_149 = tpu.vector_load %arg8[%get3A_146, %get3A_147, %get3A_148] {strides = array<i32>} : memref<38x4x16xf32, #tpu.memory_space<vmem>>, vector<16xf32>,
      %parallel_loop3A = arith.constant 0 : i32
      %parallel_loop3A_150 = arith.constant 256 : i32
      %parallel_loop3A_151 = arith.constant 1 : i32
      scf.for %parallel_loop3A_222 = %parallel_loop3A to %parallel_loop3A_150 step %parallel_loop3A_151  : i32 {
        %parallel_loop3A_223 = arith.constant 16 : i32
        %parallel_loop3A_224 = arith.muli %parallel_loop3A_222, %parallel_loop3A_223 : i32
        %parallel_loop3A_225 = arith.index_cast %parallel_loop3A_224 : i32 to index
        %parallel_loop3A_226 = tpu.vector_load %arg9[%parallel_loop3A_225] {strides = array<i32>} : memref<4096xi32, #tpu.memory_space<vmem>>, vector<16xi32>,
        %parallel_loop3A_227 = arith.constant 8 : i32
        %parallel_loop3A_228 = arith.divsi %parallel_loop3A_222, %parallel_loop3A_227 : i32
        %parallel_loop3A_229 = arith.constant 0 : i32
        %parallel_loop3A_230 = arith.cmpi sgt, %parallel_loop3A_222, %parallel_loop3A_229 : i32
        %parallel_loop3A_231 = arith.extui %parallel_loop3A_230 : i1 to i32
        %parallel_loop3A_232 = arith.constant 0 : i32
        %parallel_loop3A_233 = arith.cmpi slt, %parallel_loop3A_222, %parallel_loop3A_232 : i32
        %parallel_loop3A_234 = arith.extui %parallel_loop3A_233 : i1 to i32
        %parallel_loop3A_235 = arith.subi %parallel_loop3A_231, %parallel_loop3A_234 : i32
        %parallel_loop3A_236 = arith.constant 0 : i32
        %parallel_loop3A_237 = arith.cmpi sgt, %parallel_loop3A_227, %parallel_loop3A_236 : i32
        %parallel_loop3A_238 = arith.extui %parallel_loop3A_237 : i1 to i32
        %parallel_loop3A_239 = arith.constant 0 : i32
        %parallel_loop3A_240 = arith.cmpi slt, %parallel_loop3A_227, %parallel_loop3A_239 : i32
        %parallel_loop3A_241 = arith.extui %parallel_loop3A_240 : i1 to i32
        %parallel_loop3A_242 = arith.subi %parallel_loop3A_238, %parallel_loop3A_241 : i32
        %parallel_loop3A_243 = arith.cmpi ne, %parallel_loop3A_235, %parallel_loop3A_242 : i32
        %parallel_loop3A_244 = arith.remsi %parallel_loop3A_222, %parallel_loop3A_227 : i32
        %parallel_loop3A_245 = arith.constant 0 : i32
        %parallel_loop3A_246 = arith.cmpi ne, %parallel_loop3A_244, %parallel_loop3A_245 : i32
        %parallel_loop3A_247 = arith.andi %parallel_loop3A_243, %parallel_loop3A_246 : i1
        %parallel_loop3A_248 = arith.constant 1 : i32
        %parallel_loop3A_249 = arith.subi %parallel_loop3A_228, %parallel_loop3A_248 : i32
        %parallel_loop3A_250 = arith.select %parallel_loop3A_247, %parallel_loop3A_249, %parallel_loop3A_228 : i32
        %parallel_loop3A_251 = arith.constant 8 : i32
        %parallel_loop3A_252 = arith.remsi %parallel_loop3A_222, %parallel_loop3A_251 : i32
        %parallel_loop3A_253 = arith.constant 16 : i32
        %parallel_loop3A_254 = arith.muli %parallel_loop3A_252, %parallel_loop3A_253 : i32
        %parallel_loop3A_255 = arith.constant 0 : i32
        %parallel_loop3A_256 = arith.constant 0 : i32
        %parallel_loop3A_257 = tpu.memref_slice %arg6[%parallel_loop3A_255, %parallel_loop3A_256] : memref<4x10000xf32, #tpu.memory_space<vmem>> -> memref<1x10000xf32, #tpu.memory_space<vmem>>
        %parallel_loop3A_258 = tpu.memref_squeeze %parallel_loop3A_257 : memref<1x10000xf32, #tpu.memory_space<vmem>> -> memref<10000xf32, #tpu.memory_space<vmem>>
        %parallel_loop3A_259 = tpu.vector_load_idx %parallel_loop3A_258[%parallel_loop3A_226] : memref<10000xf32, #tpu.memory_space<vmem>>[vector<16xi32>], vector<16xf32>,
        %parallel_loop3A_260 = arith.addf %parallel_loop3A_259, %get3A_134 : vector<16xf32>
        %parallel_loop3A_261 = arith.constant 0 : i32
        %parallel_loop3A_262 = arith.index_cast %parallel_loop3A_261 : i32 to index
        %parallel_loop3A_263 = arith.index_cast %parallel_loop3A_250 : i32 to index
        %parallel_loop3A_264 = arith.index_cast %parallel_loop3A_254 : i32 to index
        %parallel_loop3A_265 = tpu.vector_load %arg11[%parallel_loop3A_262, %parallel_loop3A_263, %parallel_loop3A_264] {strides = array<i32>} : memref<4x32x128xf32, #tpu.memory_space<vmem>>, vector<16xf32>,
        tpu.vector_store %arg11[%parallel_loop3A_262, %parallel_loop3A_263, %parallel_loop3A_264], %parallel_loop3A_260 {strides = array<i32>} : memref<4x32x128xf32, #tpu.memory_space<vmem>>, vector<16xf32>,
        %parallel_loop3A_266 = arith.constant 1 : i32
        %parallel_loop3A_267 = arith.constant 0 : i32
        %parallel_loop3A_268 = tpu.memref_slice %arg6[%parallel_loop3A_266, %parallel_loop3A_267] : memref<4x10000xf32, #tpu.memory_space<vmem>> -> memref<1x10000xf32, #tpu.memory_space<vmem>>
        %parallel_loop3A_269 = tpu.memref_squeeze %parallel_loop3A_268 : memref<1x10000xf32, #tpu.memory_space<vmem>> -> memref<10000xf32, #tpu.memory_space<vmem>>
        %parallel_loop3A_270 = tpu.vector_load_idx %parallel_loop3A_269[%parallel_loop3A_226] : memref<10000xf32, #tpu.memory_space<vmem>>[vector<16xi32>], vector<16xf32>,
        %parallel_loop3A_271 = arith.addf %parallel_loop3A_270, %get3A_139 : vector<16xf32>
        %parallel_loop3A_272 = arith.constant 1 : i32
        %parallel_loop3A_273 = arith.index_cast %parallel_loop3A_272 : i32 to index
        %parallel_loop3A_274 = arith.index_cast %parallel_loop3A_250 : i32 to index
        %parallel_loop3A_275 = arith.index_cast %parallel_loop3A_254 : i32 to index
        %parallel_loop3A_276 = tpu.vector_load %arg11[%parallel_loop3A_273, %parallel_loop3A_274, %parallel_loop3A_275] {strides = array<i32>} : memref<4x32x128xf32, #tpu.memory_space<vmem>>, vector<16xf32>,
        tpu.vector_store %arg11[%parallel_loop3A_273, %parallel_loop3A_274, %parallel_loop3A_275], %parallel_loop3A_271 {strides = array<i32>} : memref<4x32x128xf32, #tpu.memory_space<vmem>>, vector<16xf32>,
        %parallel_loop3A_277 = arith.constant 2 : i32
        %parallel_loop3A_278 = arith.constant 0 : i32
        %parallel_loop3A_279 = tpu.memref_slice %arg6[%parallel_loop3A_277, %parallel_loop3A_278] : memref<4x10000xf32, #tpu.memory_space<vmem>> -> memref<1x10000xf32, #tpu.memory_space<vmem>>
        %parallel_loop3A_280 = tpu.memref_squeeze %parallel_loop3A_279 : memref<1x10000xf32, #tpu.memory_space<vmem>> -> memref<10000xf32, #tpu.memory_space<vmem>>
        %parallel_loop3A_281 = tpu.vector_load_idx %parallel_loop3A_280[%parallel_loop3A_226] : memref<10000xf32, #tpu.memory_space<vmem>>[vector<16xi32>], vector<16xf32>,
        %parallel_loop3A_282 = arith.addf %parallel_loop3A_281, %get3A_144 : vector<16xf32>
        %parallel_loop3A_283 = arith.constant 2 : i32
        %parallel_loop3A_284 = arith.index_cast %parallel_loop3A_283 : i32 to index
        %parallel_loop3A_285 = arith.index_cast %parallel_loop3A_250 : i32 to index
        %parallel_loop3A_286 = arith.index_cast %parallel_loop3A_254 : i32 to index
        %parallel_loop3A_287 = tpu.vector_load %arg11[%parallel_loop3A_284, %parallel_loop3A_285, %parallel_loop3A_286] {strides = array<i32>} : memref<4x32x128xf32, #tpu.memory_space<vmem>>, vector<16xf32>,
        tpu.vector_store %arg11[%parallel_loop3A_284, %parallel_loop3A_285, %parallel_loop3A_286], %parallel_loop3A_282 {strides = array<i32>} : memref<4x32x128xf32, #tpu.memory_space<vmem>>, vector<16xf32>,
        %parallel_loop3A_288 = arith.constant 3 : i32
        %parallel_loop3A_289 = arith.constant 0 : i32
        %parallel_loop3A_290 = tpu.memref_slice %arg6[%parallel_loop3A_288, %parallel_loop3A_289] : memref<4x10000xf32, #tpu.memory_space<vmem>> -> memref<1x10000xf32, #tpu.memory_space<vmem>>
        %parallel_loop3A_291 = tpu.memref_squeeze %parallel_loop3A_290 : memref<1x10000xf32, #tpu.memory_space<vmem>> -> memref<10000xf32, #tpu.memory_space<vmem>>
        %parallel_loop3A_292 = tpu.vector_load_idx %parallel_loop3A_291[%parallel_loop3A_226] : memref<10000xf32, #tpu.memory_space<vmem>>[vector<16xi32>], vector<16xf32>,
        %parallel_loop3A_293 = arith.addf %parallel_loop3A_292, %get3A_149 : vector<16xf32>
        %parallel_loop3A_294 = arith.constant 3 : i32
        %parallel_loop3A_295 = arith.index_cast %parallel_loop3A_294 : i32 to index
        %parallel_loop3A_296 = arith.index_cast %parallel_loop3A_250 : i32 to index
        %parallel_loop3A_297 = arith.index_cast %parallel_loop3A_254 : i32 to index
        %parallel_loop3A_298 = tpu.vector_load %arg11[%parallel_loop3A_295, %parallel_loop3A_296, %parallel_loop3A_297] {strides = array<i32>} : memref<4x32x128xf32, #tpu.memory_space<vmem>>, vector<16xf32>,
        tpu.vector_store %arg11[%parallel_loop3A_295, %parallel_loop3A_296, %parallel_loop3A_297], %parallel_loop3A_293 {strides = array<i32>} : memref<4x32x128xf32, #tpu.memory_space<vmem>>, vector<16xf32>,
      } {sc.loop_unroll_factor = 16 : i64, sc.parallel_access}
      %lt3A_152 = arith.constant 150 : i32
      %lt3A_153 = arith.cmpi slt, %add3A_114, %lt3A_152 : i32
      %convert_element_type3A_154 = arith.extui %lt3A_153 : i1 to i32
      %cond3A_155 = arith.constant 0 : i32
      %cond3A_156 = arith.cmpi ne, %convert_element_type3A_154, %cond3A_155 : i32
      scf.if %cond3A_156 {
        %add3A_222 = arith.constant 0 : i32
        %add3A_223 = arith.addi %mul3A_50, %add3A_222 : i32
        %dma_start3A_224 = arith.constant 0 : i32
        %dma_start3A_225 = arith.constant 0 : i32
        %dma_start3A_226 = arith.constant 0 : i32
        %dma_start3A_227 = tpu.memref_slice %arg11[%dma_start3A_224, %dma_start3A_225, %dma_start3A_226] : memref<4x32x128xf32, #tpu.memory_space<vmem>> -> memref<1x32x128xf32, #tpu.memory_space<vmem>>
        %dma_start3A_228 = tpu.memref_squeeze %dma_start3A_227 : memref<1x32x128xf32, #tpu.memory_space<vmem>> -> memref<32x128xf32, #tpu.memory_space<vmem>>
        %dma_start3A_229 = arith.constant 0 : i32
        %dma_start3A_230 = arith.constant 0 : i32
        %dma_start3A_231 = tpu.memref_slice %arg5[%add3A_114, %select_n3A_46, %dma_start3A_229, %add3A_223, %dma_start3A_230] : memref<150x4x32x8x128xf32, #tpu.memory_space<hbm>> -> memref<1x1x32x1x128xf32, #tpu.memory_space<hbm>>
        %dma_start3A_232 = tpu.memref_squeeze %dma_start3A_231 : memref<1x1x32x1x128xf32, #tpu.memory_space<hbm>> -> memref<32x128xf32, #tpu.memory_space<hbm>>
        %dma_start3A_233 = arith.constant 0 : i32
        %dma_start3A_234 = arith.constant 0 : i32
        %dma_start3A_235 = tpu.memref_slice %arg5[%add3A_114, %select_n3A_46, %dma_start3A_233, %add3A_223, %dma_start3A_234] : memref<150x4x32x8x128xf32, #tpu.memory_space<hbm>> -> memref<1x1x32x1x128xf32, #tpu.memory_space<hbm>>
        %dma_start3A_236 = tpu.memref_squeeze %dma_start3A_235 : memref<1x1x32x1x128xf32, #tpu.memory_space<hbm>> -> memref<32x128xf32, #tpu.memory_space<hbm>>
        %dma_start3A_237 = arith.constant 0 : i32
        %dma_start3A_238 = arith.constant 0 : i32
        %dma_start3A_239 = tpu.memref_slice %arg11[%dma_start3A_224, %dma_start3A_237, %dma_start3A_238] : memref<4x32x128xf32, #tpu.memory_space<vmem>> -> memref<1x32x128xf32, #tpu.memory_space<vmem>>
        %dma_start3A_240 = tpu.memref_squeeze %dma_start3A_239 : memref<1x32x128xf32, #tpu.memory_space<vmem>> -> memref<32x128xf32, #tpu.memory_space<vmem>>
        tpu.enqueue_dma source(%dma_start3A_240 : memref<32x128xf32, #tpu.memory_space<vmem>>) target(%dma_start3A_236 : memref<32x128xf32, #tpu.memory_space<hbm>>) target_semaphore(%arg15 : memref<!tpu.dma_semaphore, #tpu.memory_space<semaphore_mem>>)
        %add3A_241 = arith.constant 1 : i32
        %add3A_242 = arith.addi %mul3A_50, %add3A_241 : i32
        %dma_start3A_243 = arith.constant 1 : i32
        %dma_start3A_244 = arith.constant 0 : i32
        %dma_start3A_245 = arith.constant 0 : i32
        %dma_start3A_246 = tpu.memref_slice %arg11[%dma_start3A_243, %dma_start3A_244, %dma_start3A_245] : memref<4x32x128xf32, #tpu.memory_space<vmem>> -> memref<1x32x128xf32, #tpu.memory_space<vmem>>
        %dma_start3A_247 = tpu.memref_squeeze %dma_start3A_246 : memref<1x32x128xf32, #tpu.memory_space<vmem>> -> memref<32x128xf32, #tpu.memory_space<vmem>>
        %dma_start3A_248 = arith.constant 0 : i32
        %dma_start3A_249 = arith.constant 0 : i32
        %dma_start3A_250 = tpu.memref_slice %arg5[%add3A_114, %select_n3A_46, %dma_start3A_248, %add3A_242, %dma_start3A_249] : memref<150x4x32x8x128xf32, #tpu.memory_space<hbm>> -> memref<1x1x32x1x128xf32, #tpu.memory_space<hbm>>
        %dma_start3A_251 = tpu.memref_squeeze %dma_start3A_250 : memref<1x1x32x1x128xf32, #tpu.memory_space<hbm>> -> memref<32x128xf32, #tpu.memory_space<hbm>>
        %dma_start3A_252 = arith.constant 0 : i32
        %dma_start3A_253 = arith.constant 0 : i32
        %dma_start3A_254 = tpu.memref_slice %arg5[%add3A_114, %select_n3A_46, %dma_start3A_252, %add3A_242, %dma_start3A_253] : memref<150x4x32x8x128xf32, #tpu.memory_space<hbm>> -> memref<1x1x32x1x128xf32, #tpu.memory_space<hbm>>
        %dma_start3A_255 = tpu.memref_squeeze %dma_start3A_254 : memref<1x1x32x1x128xf32, #tpu.memory_space<hbm>> -> memref<32x128xf32, #tpu.memory_space<hbm>>
        %dma_start3A_256 = arith.constant 0 : i32
        %dma_start3A_257 = arith.constant 0 : i32
        %dma_start3A_258 = tpu.memref_slice %arg11[%dma_start3A_243, %dma_start3A_256, %dma_start3A_257] : memref<4x32x128xf32, #tpu.memory_space<vmem>> -> memref<1x32x128xf32, #tpu.memory_space<vmem>>
        %dma_start3A_259 = tpu.memref_squeeze %dma_start3A_258 : memref<1x32x128xf32, #tpu.memory_space<vmem>> -> memref<32x128xf32, #tpu.memory_space<vmem>>
        tpu.enqueue_dma source(%dma_start3A_259 : memref<32x128xf32, #tpu.memory_space<vmem>>) target(%dma_start3A_255 : memref<32x128xf32, #tpu.memory_space<hbm>>) target_semaphore(%arg15 : memref<!tpu.dma_semaphore, #tpu.memory_space<semaphore_mem>>)
        %add3A_260 = arith.constant 2 : i32
        %add3A_261 = arith.addi %mul3A_50, %add3A_260 : i32
        %dma_start3A_262 = arith.constant 2 : i32
        %dma_start3A_263 = arith.constant 0 : i32
        %dma_start3A_264 = arith.constant 0 : i32
        %dma_start3A_265 = tpu.memref_slice %arg11[%dma_start3A_262, %dma_start3A_263, %dma_start3A_264] : memref<4x32x128xf32, #tpu.memory_space<vmem>> -> memref<1x32x128xf32, #tpu.memory_space<vmem>>
        %dma_start3A_266 = tpu.memref_squeeze %dma_start3A_265 : memref<1x32x128xf32, #tpu.memory_space<vmem>> -> memref<32x128xf32, #tpu.memory_space<vmem>>
        %dma_start3A_267 = arith.constant 0 : i32
        %dma_start3A_268 = arith.constant 0 : i32
        %dma_start3A_269 = tpu.memref_slice %arg5[%add3A_114, %select_n3A_46, %dma_start3A_267, %add3A_261, %dma_start3A_268] : memref<150x4x32x8x128xf32, #tpu.memory_space<hbm>> -> memref<1x1x32x1x128xf32, #tpu.memory_space<hbm>>
        %dma_start3A_270 = tpu.memref_squeeze %dma_start3A_269 : memref<1x1x32x1x128xf32, #tpu.memory_space<hbm>> -> memref<32x128xf32, #tpu.memory_space<hbm>>
        %dma_start3A_271 = arith.constant 0 : i32
        %dma_start3A_272 = arith.constant 0 : i32
        %dma_start3A_273 = tpu.memref_slice %arg5[%add3A_114, %select_n3A_46, %dma_start3A_271, %add3A_261, %dma_start3A_272] : memref<150x4x32x8x128xf32, #tpu.memory_space<hbm>> -> memref<1x1x32x1x128xf32, #tpu.memory_space<hbm>>
        %dma_start3A_274 = tpu.memref_squeeze %dma_start3A_273 : memref<1x1x32x1x128xf32, #tpu.memory_space<hbm>> -> memref<32x128xf32, #tpu.memory_space<hbm>>
        %dma_start3A_275 = arith.constant 0 : i32
        %dma_start3A_276 = arith.constant 0 : i32
        %dma_start3A_277 = tpu.memref_slice %arg11[%dma_start3A_262, %dma_start3A_275, %dma_start3A_276] : memref<4x32x128xf32, #tpu.memory_space<vmem>> -> memref<1x32x128xf32, #tpu.memory_space<vmem>>
        %dma_start3A_278 = tpu.memref_squeeze %dma_start3A_277 : memref<1x32x128xf32, #tpu.memory_space<vmem>> -> memref<32x128xf32, #tpu.memory_space<vmem>>
        tpu.enqueue_dma source(%dma_start3A_278 : memref<32x128xf32, #tpu.memory_space<vmem>>) target(%dma_start3A_274 : memref<32x128xf32, #tpu.memory_space<hbm>>) target_semaphore(%arg15 : memref<!tpu.dma_semaphore, #tpu.memory_space<semaphore_mem>>)
        %add3A_279 = arith.constant 3 : i32
        %add3A_280 = arith.addi %mul3A_50, %add3A_279 : i32
        %dma_start3A_281 = arith.constant 3 : i32
        %dma_start3A_282 = arith.constant 0 : i32
        %dma_start3A_283 = arith.constant 0 : i32
        %dma_start3A_284 = tpu.memref_slice %arg11[%dma_start3A_281, %dma_start3A_282, %dma_start3A_283] : memref<4x32x128xf32, #tpu.memory_space<vmem>> -> memref<1x32x128xf32, #tpu.memory_space<vmem>>
        %dma_start3A_285 = tpu.memref_squeeze %dma_start3A_284 : memref<1x32x128xf32, #tpu.memory_space<vmem>> -> memref<32x128xf32, #tpu.memory_space<vmem>>
        %dma_start3A_286 = arith.constant 0 : i32
        %dma_start3A_287 = arith.constant 0 : i32
        %dma_start3A_288 = tpu.memref_slice %arg5[%add3A_114, %select_n3A_46, %dma_start3A_286, %add3A_280, %dma_start3A_287] : memref<150x4x32x8x128xf32, #tpu.memory_space<hbm>> -> memref<1x1x32x1x128xf32, #tpu.memory_space<hbm>>
        %dma_start3A_289 = tpu.memref_squeeze %dma_start3A_288 : memref<1x1x32x1x128xf32, #tpu.memory_space<hbm>> -> memref<32x128xf32, #tpu.memory_space<hbm>>
        %dma_start3A_290 = arith.constant 0 : i32
        %dma_start3A_291 = arith.constant 0 : i32
        %dma_start3A_292 = tpu.memref_slice %arg5[%add3A_114, %select_n3A_46, %dma_start3A_290, %add3A_280, %dma_start3A_291] : memref<150x4x32x8x128xf32, #tpu.memory_space<hbm>> -> memref<1x1x32x1x128xf32, #tpu.memory_space<hbm>>
        %dma_start3A_293 = tpu.memref_squeeze %dma_start3A_292 : memref<1x1x32x1x128xf32, #tpu.memory_space<hbm>> -> memref<32x128xf32, #tpu.memory_space<hbm>>
        %dma_start3A_294 = arith.constant 0 : i32
        %dma_start3A_295 = arith.constant 0 : i32
        %dma_start3A_296 = tpu.memref_slice %arg11[%dma_start3A_281, %dma_start3A_294, %dma_start3A_295] : memref<4x32x128xf32, #tpu.memory_space<vmem>> -> memref<1x32x128xf32, #tpu.memory_space<vmem>>
        %dma_start3A_297 = tpu.memref_squeeze %dma_start3A_296 : memref<1x32x128xf32, #tpu.memory_space<vmem>> -> memref<32x128xf32, #tpu.memory_space<vmem>>
        tpu.enqueue_dma source(%dma_start3A_297 : memref<32x128xf32, #tpu.memory_space<vmem>>) target(%dma_start3A_293 : memref<32x128xf32, #tpu.memory_space<hbm>>) target_semaphore(%arg15 : memref<!tpu.dma_semaphore, #tpu.memory_space<semaphore_mem>>)
      } else {
      }
      %add3A_157 = arith.constant 2 : i32
      %add3A_158 = arith.addi %add3A_113, %add3A_157 : i32
      %lt3A_159 = arith.constant 38 : i32
      %lt3A_160 = arith.cmpi slt, %add3A_158, %lt3A_159 : i32
      %convert_element_type3A_161 = arith.extui %lt3A_160 : i1 to i32
      %cond3A_162 = arith.constant 0 : i32
      %cond3A_163 = arith.cmpi ne, %convert_element_type3A_161, %cond3A_162 : i32
      scf.if %cond3A_163 {
        %add3A_222 = arith.constant 2 : i32
        %add3A_223 = arith.addi %add3A_113, %add3A_222 : i32
        %add3A_224 = arith.addi %mul3A_22, %add3A_223 : i32
        %min3A_225 = arith.constant 149 : i32
        %min3A_226 = arith.minsi %add3A_224, %min3A_225 : i32
        %dma_start3A_227 = arith.constant 0 : i32
        %dma_start3A_228 = tpu.memref_slice %arg2[%min3A_226, %dma_start3A_227] : memref<150x4096xi32, #tpu.memory_space<hbm>> -> memref<1x4096xi32, #tpu.memory_space<hbm>>
        %dma_start3A_229 = tpu.memref_squeeze %dma_start3A_228 : memref<1x4096xi32, #tpu.memory_space<hbm>> -> memref<4096xi32, #tpu.memory_space<hbm>>
        %dma_start3A_230 = arith.constant 0 : i32
        %dma_start3A_231 = tpu.memref_slice %arg2[%min3A_226, %dma_start3A_230] : memref<150x4096xi32, #tpu.memory_space<hbm>> -> memref<1x4096xi32, #tpu.memory_space<hbm>>
        %dma_start3A_232 = tpu.memref_squeeze %dma_start3A_231 : memref<1x4096xi32, #tpu.memory_space<hbm>> -> memref<4096xi32, #tpu.memory_space<hbm>>
        tpu.enqueue_dma source(%dma_start3A_232 : memref<4096xi32, #tpu.memory_space<hbm>>) target(%arg9 : memref<4096xi32, #tpu.memory_space<vmem>>) target_semaphore(%arg13 : memref<!tpu.dma_semaphore, #tpu.memory_space<semaphore_mem>>)
      } else {
      }
      %mul3A_164 = arith.constant 2 : i32
      %mul3A_165 = arith.muli %mul3A_164, %scan3A_108 : i32
      %add3A_166 = arith.constant 1 : i32
      %add3A_167 = arith.addi %mul3A_165, %add3A_166 : i32
      %add3A_168 = arith.addi %mul3A_22, %add3A_167 : i32
      %dma_wait3A_169 = arith.constant 0 : i32
      %dma_wait3A_170 = arith.constant 0 : i32
      %dma_wait3A_171 = tpu.memref_slice %arg2[%dma_wait3A_169, %dma_wait3A_170] : memref<150x4096xi32, #tpu.memory_space<hbm>> -> memref<1x4096xi32, #tpu.memory_space<hbm>>
      %dma_wait3A_172 = tpu.memref_squeeze %dma_wait3A_171 : memref<1x4096xi32, #tpu.memory_space<hbm>> -> memref<4096xi32, #tpu.memory_space<hbm>>
      %dma_wait3A_173 = arith.constant 0 : i32
      %dma_wait3A_174 = tpu.memref_slice %arg2[%dma_wait3A_169, %dma_wait3A_173] : memref<150x4096xi32, #tpu.memory_space<hbm>> -> memref<1x4096xi32, #tpu.memory_space<hbm>>
      %dma_wait3A_175 = tpu.memref_squeeze %dma_wait3A_174 : memref<1x4096xi32, #tpu.memory_space<hbm>> -> memref<4096xi32, #tpu.memory_space<hbm>>
      tpu.wait_dma2 semaphore(%arg14 : memref<!tpu.dma_semaphore, #tpu.memory_space<semaphore_mem>>) src(%dma_wait3A_175 : memref<4096xi32, #tpu.memory_space<hbm>>) dst(%arg10 : memref<4096xi32, #tpu.memory_space<vmem>>)
      %ge3A_176 = arith.constant 2 : i32
      %ge3A_177 = arith.cmpi sge, %add3A_167, %ge3A_176 : i32
      %sub3A_178 = arith.constant 2 : i32
      %sub3A_179 = arith.subi %add3A_168, %sub3A_178 : i32
      %lt3A_180 = arith.constant 150 : i32
      %lt3A_181 = arith.cmpi slt, %sub3A_179, %lt3A_180 : i32
      %and3A_182 = arith.andi %ge3A_177, %lt3A_181 : i1
      %convert_element_type3A_183 = arith.extui %and3A_182 : i1 to i32
      %cond3A_184 = arith.constant 0 : i32
      %cond3A_185 = arith.cmpi ne, %convert_element_type3A_183, %cond3A_184 : i32
      scf.if %cond3A_185 {
        %dma_wait3A_222 = arith.constant 0 : i32
        %dma_wait3A_223 = arith.constant 0 : i32
        %dma_wait3A_224 = arith.constant 0 : i32
        %dma_wait3A_225 = arith.constant 0 : i32
        %dma_wait3A_226 = arith.constant 0 : i32
        %dma_wait3A_227 = arith.constant 0 : i32
        %dma_wait3A_228 = tpu.memref_slice %arg12[%dma_wait3A_222, %dma_wait3A_226, %dma_wait3A_227] : memref<4x32x128xf32, #tpu.memory_space<vmem>> -> memref<1x32x128xf32, #tpu.memory_space<vmem>>
        %dma_wait3A_229 = tpu.memref_squeeze %dma_wait3A_228 : memref<1x32x128xf32, #tpu.memory_space<vmem>> -> memref<32x128xf32, #tpu.memory_space<vmem>>
        %dma_wait3A_230 = arith.constant 0 : i32
        %dma_wait3A_231 = arith.constant 0 : i32
        %dma_wait3A_232 = tpu.memref_slice %arg5[%dma_wait3A_223, %dma_wait3A_224, %dma_wait3A_230, %dma_wait3A_225, %dma_wait3A_231] : memref<150x4x32x8x128xf32, #tpu.memory_space<hbm>> -> memref<1x1x32x1x128xf32, #tpu.memory_space<hbm>>
        %dma_wait3A_233 = tpu.memref_squeeze %dma_wait3A_232 : memref<1x1x32x1x128xf32, #tpu.memory_space<hbm>> -> memref<32x128xf32, #tpu.memory_space<hbm>>
        %dma_wait3A_234 = arith.constant 0 : i32
        %dma_wait3A_235 = arith.constant 0 : i32
        %dma_wait3A_236 = tpu.memref_slice %arg5[%dma_wait3A_223, %dma_wait3A_224, %dma_wait3A_234, %dma_wait3A_225, %dma_wait3A_235] : memref<150x4x32x8x128xf32, #tpu.memory_space<hbm>> -> memref<1x1x32x1x128xf32, #tpu.memory_space<hbm>>
        %dma_wait3A_237 = tpu.memref_squeeze %dma_wait3A_236 : memref<1x1x32x1x128xf32, #tpu.memory_space<hbm>> -> memref<32x128xf32, #tpu.memory_space<hbm>>
        %dma_wait3A_238 = arith.constant 0 : i32
        %dma_wait3A_239 = arith.constant 0 : i32
        %dma_wait3A_240 = tpu.memref_slice %arg12[%dma_wait3A_222, %dma_wait3A_238, %dma_wait3A_239] : memref<4x32x128xf32, #tpu.memory_space<vmem>> -> memref<1x32x128xf32, #tpu.memory_space<vmem>>
        %dma_wait3A_241 = tpu.memref_squeeze %dma_wait3A_240 : memref<1x32x128xf32, #tpu.memory_space<vmem>> -> memref<32x128xf32, #tpu.memory_space<vmem>>
        tpu.wait_dma2 semaphore(%arg16 : memref<!tpu.dma_semaphore, #tpu.memory_space<semaphore_mem>>) src(%dma_wait3A_241 : memref<32x128xf32, #tpu.memory_space<vmem>>) dst(%dma_wait3A_237 : memref<32x128xf32, #tpu.memory_space<hbm>>)
        %dma_wait3A_242 = arith.constant 1 : i32
        %dma_wait3A_243 = arith.constant 0 : i32
        %dma_wait3A_244 = arith.constant 0 : i32
        %dma_wait3A_245 = arith.constant 0 : i32
        %dma_wait3A_246 = arith.constant 0 : i32
        %dma_wait3A_247 = arith.constant 0 : i32
        %dma_wait3A_248 = tpu.memref_slice %arg12[%dma_wait3A_242, %dma_wait3A_246, %dma_wait3A_247] : memref<4x32x128xf32, #tpu.memory_space<vmem>> -> memref<1x32x128xf32, #tpu.memory_space<vmem>>
        %dma_wait3A_249 = tpu.memref_squeeze %dma_wait3A_248 : memref<1x32x128xf32, #tpu.memory_space<vmem>> -> memref<32x128xf32, #tpu.memory_space<vmem>>
        %dma_wait3A_250 = arith.constant 0 : i32
        %dma_wait3A_251 = arith.constant 0 : i32
        %dma_wait3A_252 = tpu.memref_slice %arg5[%dma_wait3A_243, %dma_wait3A_244, %dma_wait3A_250, %dma_wait3A_245, %dma_wait3A_251] : memref<150x4x32x8x128xf32, #tpu.memory_space<hbm>> -> memref<1x1x32x1x128xf32, #tpu.memory_space<hbm>>
        %dma_wait3A_253 = tpu.memref_squeeze %dma_wait3A_252 : memref<1x1x32x1x128xf32, #tpu.memory_space<hbm>> -> memref<32x128xf32, #tpu.memory_space<hbm>>
        %dma_wait3A_254 = arith.constant 0 : i32
        %dma_wait3A_255 = arith.constant 0 : i32
        %dma_wait3A_256 = tpu.memref_slice %arg5[%dma_wait3A_243, %dma_wait3A_244, %dma_wait3A_254, %dma_wait3A_245, %dma_wait3A_255] : memref<150x4x32x8x128xf32, #tpu.memory_space<hbm>> -> memref<1x1x32x1x128xf32, #tpu.memory_space<hbm>>
        %dma_wait3A_257 = tpu.memref_squeeze %dma_wait3A_256 : memref<1x1x32x1x128xf32, #tpu.memory_space<hbm>> -> memref<32x128xf32, #tpu.memory_space<hbm>>
        %dma_wait3A_258 = arith.constant 0 : i32
        %dma_wait3A_259 = arith.constant 0 : i32
        %dma_wait3A_260 = tpu.memref_slice %arg12[%dma_wait3A_242, %dma_wait3A_258, %dma_wait3A_259] : memref<4x32x128xf32, #tpu.memory_space<vmem>> -> memref<1x32x128xf32, #tpu.memory_space<vmem>>
        %dma_wait3A_261 = tpu.memref_squeeze %dma_wait3A_260 : memref<1x32x128xf32, #tpu.memory_space<vmem>> -> memref<32x128xf32, #tpu.memory_space<vmem>>
        tpu.wait_dma2 semaphore(%arg16 : memref<!tpu.dma_semaphore, #tpu.memory_space<semaphore_mem>>) src(%dma_wait3A_261 : memref<32x128xf32, #tpu.memory_space<vmem>>) dst(%dma_wait3A_257 : memref<32x128xf32, #tpu.memory_space<hbm>>)
        %dma_wait3A_262 = arith.constant 2 : i32
        %dma_wait3A_263 = arith.constant 0 : i32
        %dma_wait3A_264 = arith.constant 0 : i32
        %dma_wait3A_265 = arith.constant 0 : i32
        %dma_wait3A_266 = arith.constant 0 : i32
        %dma_wait3A_267 = arith.constant 0 : i32
        %dma_wait3A_268 = tpu.memref_slice %arg12[%dma_wait3A_262, %dma_wait3A_266, %dma_wait3A_267] : memref<4x32x128xf32, #tpu.memory_space<vmem>> -> memref<1x32x128xf32, #tpu.memory_space<vmem>>
        %dma_wait3A_269 = tpu.memref_squeeze %dma_wait3A_268 : memref<1x32x128xf32, #tpu.memory_space<vmem>> -> memref<32x128xf32, #tpu.memory_space<vmem>>
        %dma_wait3A_270 = arith.constant 0 : i32
        %dma_wait3A_271 = arith.constant 0 : i32
        %dma_wait3A_272 = tpu.memref_slice %arg5[%dma_wait3A_263, %dma_wait3A_264, %dma_wait3A_270, %dma_wait3A_265, %dma_wait3A_271] : memref<150x4x32x8x128xf32, #tpu.memory_space<hbm>> -> memref<1x1x32x1x128xf32, #tpu.memory_space<hbm>>
        %dma_wait3A_273 = tpu.memref_squeeze %dma_wait3A_272 : memref<1x1x32x1x128xf32, #tpu.memory_space<hbm>> -> memref<32x128xf32, #tpu.memory_space<hbm>>
        %dma_wait3A_274 = arith.constant 0 : i32
        %dma_wait3A_275 = arith.constant 0 : i32
        %dma_wait3A_276 = tpu.memref_slice %arg5[%dma_wait3A_263, %dma_wait3A_264, %dma_wait3A_274, %dma_wait3A_265, %dma_wait3A_275] : memref<150x4x32x8x128xf32, #tpu.memory_space<hbm>> -> memref<1x1x32x1x128xf32, #tpu.memory_space<hbm>>
        %dma_wait3A_277 = tpu.memref_squeeze %dma_wait3A_276 : memref<1x1x32x1x128xf32, #tpu.memory_space<hbm>> -> memref<32x128xf32, #tpu.memory_space<hbm>>
        %dma_wait3A_278 = arith.constant 0 : i32
        %dma_wait3A_279 = arith.constant 0 : i32
        %dma_wait3A_280 = tpu.memref_slice %arg12[%dma_wait3A_262, %dma_wait3A_278, %dma_wait3A_279] : memref<4x32x128xf32, #tpu.memory_space<vmem>> -> memref<1x32x128xf32, #tpu.memory_space<vmem>>
        %dma_wait3A_281 = tpu.memref_squeeze %dma_wait3A_280 : memref<1x32x128xf32, #tpu.memory_space<vmem>> -> memref<32x128xf32, #tpu.memory_space<vmem>>
        tpu.wait_dma2 semaphore(%arg16 : memref<!tpu.dma_semaphore, #tpu.memory_space<semaphore_mem>>) src(%dma_wait3A_281 : memref<32x128xf32, #tpu.memory_space<vmem>>) dst(%dma_wait3A_277 : memref<32x128xf32, #tpu.memory_space<hbm>>)
        %dma_wait3A_282 = arith.constant 3 : i32
        %dma_wait3A_283 = arith.constant 0 : i32
        %dma_wait3A_284 = arith.constant 0 : i32
        %dma_wait3A_285 = arith.constant 0 : i32
        %dma_wait3A_286 = arith.constant 0 : i32
        %dma_wait3A_287 = arith.constant 0 : i32
        %dma_wait3A_288 = tpu.memref_slice %arg12[%dma_wait3A_282, %dma_wait3A_286, %dma_wait3A_287] : memref<4x32x128xf32, #tpu.memory_space<vmem>> -> memref<1x32x128xf32, #tpu.memory_space<vmem>>
        %dma_wait3A_289 = tpu.memref_squeeze %dma_wait3A_288 : memref<1x32x128xf32, #tpu.memory_space<vmem>> -> memref<32x128xf32, #tpu.memory_space<vmem>>
        %dma_wait3A_290 = arith.constant 0 : i32
        %dma_wait3A_291 = arith.constant 0 : i32
        %dma_wait3A_292 = tpu.memref_slice %arg5[%dma_wait3A_283, %dma_wait3A_284, %dma_wait3A_290, %dma_wait3A_285, %dma_wait3A_291] : memref<150x4x32x8x128xf32, #tpu.memory_space<hbm>> -> memref<1x1x32x1x128xf32, #tpu.memory_space<hbm>>
        %dma_wait3A_293 = tpu.memref_squeeze %dma_wait3A_292 : memref<1x1x32x1x128xf32, #tpu.memory_space<hbm>> -> memref<32x128xf32, #tpu.memory_space<hbm>>
        %dma_wait3A_294 = arith.constant 0 : i32
        %dma_wait3A_295 = arith.constant 0 : i32
        %dma_wait3A_296 = tpu.memref_slice %arg5[%dma_wait3A_283, %dma_wait3A_284, %dma_wait3A_294, %dma_wait3A_285, %dma_wait3A_295] : memref<150x4x32x8x128xf32, #tpu.memory_space<hbm>> -> memref<1x1x32x1x128xf32, #tpu.memory_space<hbm>>
        %dma_wait3A_297 = tpu.memref_squeeze %dma_wait3A_296 : memref<1x1x32x1x128xf32, #tpu.memory_space<hbm>> -> memref<32x128xf32, #tpu.memory_space<hbm>>
        %dma_wait3A_298 = arith.constant 0 : i32
        %dma_wait3A_299 = arith.constant 0 : i32
        %dma_wait3A_300 = tpu.memref_slice %arg12[%dma_wait3A_282, %dma_wait3A_298, %dma_wait3A_299] : memref<4x32x128xf32, #tpu.memory_space<vmem>> -> memref<1x32x128xf32, #tpu.memory_space<vmem>>
        %dma_wait3A_301 = tpu.memref_squeeze %dma_wait3A_300 : memref<1x32x128xf32, #tpu.memory_space<vmem>> -> memref<32x128xf32, #tpu.memory_space<vmem>>
        tpu.wait_dma2 semaphore(%arg16 : memref<!tpu.dma_semaphore, #tpu.memory_space<semaphore_mem>>) src(%dma_wait3A_301 : memref<32x128xf32, #tpu.memory_space<vmem>>) dst(%dma_wait3A_297 : memref<32x128xf32, #tpu.memory_space<hbm>>)
      } else {
      }
      %get3A_186 = arith.constant 0 : i32
      %get3A_187 = arith.index_cast %add3A_167 : i32 to index
      %get3A_188 = arith.index_cast %get3A_186 : i32 to index
      %get3A_189 = arith.constant 0 : index
      %get3A_190 = tpu.vector_load %arg8[%get3A_187, %get3A_188, %get3A_189] {strides = array<i32>} : memref<38x4x16xf32, #tpu.memory_space<vmem>>, vector<16xf32>,
      %get3A_191 = arith.constant 1 : i32
      %get3A_192 = arith.index_cast %add3A_167 : i32 to index
      %get3A_193 = arith.index_cast %get3A_191 : i32 to index
      %get3A_194 = arith.constant 0 : index
      %get3A_195 = tpu.vector_load %arg8[%get3A_192, %get3A_193, %get3A_194] {strides = array<i32>} : memref<38x4x16xf32, #tpu.memory_space<vmem>>, vector<16xf32>,
      %get3A_196 = arith.constant 2 : i32
      %get3A_197 = arith.index_cast %add3A_167 : i32 to index
      %get3A_198 = arith.index_cast %get3A_196 : i32 to index
      %get3A_199 = arith.constant 0 : index
      %get3A_200 = tpu.vector_load %arg8[%get3A_197, %get3A_198, %get3A_199] {strides = array<i32>} : memref<38x4x16xf32, #tpu.memory_space<vmem>>, vector<16xf32>,
      %get3A_201 = arith.constant 3 : i32
      %get3A_202 = arith.index_cast %add3A_167 : i32 to index
      %get3A_203 = arith.index_cast %get3A_201 : i32 to index
      %get3A_204 = arith.constant 0 : index
      %get3A_205 = tpu.vector_load %arg8[%get3A_202, %get3A_203, %get3A_204] {strides = array<i32>} : memref<38x4x16xf32, #tpu.memory_space<vmem>>, vector<16xf32>,
      %parallel_loop3A_206 = arith.constant 0 : i32
      %parallel_loop3A_207 = arith.constant 256 : i32
      %parallel_loop3A_208 = arith.constant 1 : i32
      scf.for %parallel_loop3A_222 = %parallel_loop3A_206 to %parallel_loop3A_207 step %parallel_loop3A_208  : i32 {
        %parallel_loop3A_223 = arith.constant 16 : i32
        %parallel_loop3A_224 = arith.muli %parallel_loop3A_222, %parallel_loop3A_223 : i32
        %parallel_loop3A_225 = arith.index_cast %parallel_loop3A_224 : i32 to index
        %parallel_loop3A_226 = tpu.vector_load %arg10[%parallel_loop3A_225] {strides = array<i32>} : memref<4096xi32, #tpu.memory_space<vmem>>, vector<16xi32>,
        %parallel_loop3A_227 = arith.constant 8 : i32
        %parallel_loop3A_228 = arith.divsi %parallel_loop3A_222, %parallel_loop3A_227 : i32
        %parallel_loop3A_229 = arith.constant 0 : i32
        %parallel_loop3A_230 = arith.cmpi sgt, %parallel_loop3A_222, %parallel_loop3A_229 : i32
        %parallel_loop3A_231 = arith.extui %parallel_loop3A_230 : i1 to i32
        %parallel_loop3A_232 = arith.constant 0 : i32
        %parallel_loop3A_233 = arith.cmpi slt, %parallel_loop3A_222, %parallel_loop3A_232 : i32
        %parallel_loop3A_234 = arith.extui %parallel_loop3A_233 : i1 to i32
        %parallel_loop3A_235 = arith.subi %parallel_loop3A_231, %parallel_loop3A_234 : i32
        %parallel_loop3A_236 = arith.constant 0 : i32
        %parallel_loop3A_237 = arith.cmpi sgt, %parallel_loop3A_227, %parallel_loop3A_236 : i32
        %parallel_loop3A_238 = arith.extui %parallel_loop3A_237 : i1 to i32
        %parallel_loop3A_239 = arith.constant 0 : i32
        %parallel_loop3A_240 = arith.cmpi slt, %parallel_loop3A_227, %parallel_loop3A_239 : i32
        %parallel_loop3A_241 = arith.extui %parallel_loop3A_240 : i1 to i32
        %parallel_loop3A_242 = arith.subi %parallel_loop3A_238, %parallel_loop3A_241 : i32
        %parallel_loop3A_243 = arith.cmpi ne, %parallel_loop3A_235, %parallel_loop3A_242 : i32
        %parallel_loop3A_244 = arith.remsi %parallel_loop3A_222, %parallel_loop3A_227 : i32
        %parallel_loop3A_245 = arith.constant 0 : i32
        %parallel_loop3A_246 = arith.cmpi ne, %parallel_loop3A_244, %parallel_loop3A_245 : i32
        %parallel_loop3A_247 = arith.andi %parallel_loop3A_243, %parallel_loop3A_246 : i1
        %parallel_loop3A_248 = arith.constant 1 : i32
        %parallel_loop3A_249 = arith.subi %parallel_loop3A_228, %parallel_loop3A_248 : i32
        %parallel_loop3A_250 = arith.select %parallel_loop3A_247, %parallel_loop3A_249, %parallel_loop3A_228 : i32
        %parallel_loop3A_251 = arith.constant 8 : i32
        %parallel_loop3A_252 = arith.remsi %parallel_loop3A_222, %parallel_loop3A_251 : i32
        %parallel_loop3A_253 = arith.constant 16 : i32
        %parallel_loop3A_254 = arith.muli %parallel_loop3A_252, %parallel_loop3A_253 : i32
        %parallel_loop3A_255 = arith.constant 0 : i32
        %parallel_loop3A_256 = arith.constant 0 : i32
        %parallel_loop3A_257 = tpu.memref_slice %arg6[%parallel_loop3A_255, %parallel_loop3A_256] : memref<4x10000xf32, #tpu.memory_space<vmem>> -> memref<1x10000xf32, #tpu.memory_space<vmem>>
        %parallel_loop3A_258 = tpu.memref_squeeze %parallel_loop3A_257 : memref<1x10000xf32, #tpu.memory_space<vmem>> -> memref<10000xf32, #tpu.memory_space<vmem>>
        %parallel_loop3A_259 = tpu.vector_load_idx %parallel_loop3A_258[%parallel_loop3A_226] : memref<10000xf32, #tpu.memory_space<vmem>>[vector<16xi32>], vector<16xf32>,
        %parallel_loop3A_260 = arith.addf %parallel_loop3A_259, %get3A_190 : vector<16xf32>
        %parallel_loop3A_261 = arith.constant 0 : i32
        %parallel_loop3A_262 = arith.index_cast %parallel_loop3A_261 : i32 to index
        %parallel_loop3A_263 = arith.index_cast %parallel_loop3A_250 : i32 to index
        %parallel_loop3A_264 = arith.index_cast %parallel_loop3A_254 : i32 to index
        %parallel_loop3A_265 = tpu.vector_load %arg12[%parallel_loop3A_262, %parallel_loop3A_263, %parallel_loop3A_264] {strides = array<i32>} : memref<4x32x128xf32, #tpu.memory_space<vmem>>, vector<16xf32>,
        tpu.vector_store %arg12[%parallel_loop3A_262, %parallel_loop3A_263, %parallel_loop3A_264], %parallel_loop3A_260 {strides = array<i32>} : memref<4x32x128xf32, #tpu.memory_space<vmem>>, vector<16xf32>,
        %parallel_loop3A_266 = arith.constant 1 : i32
        %parallel_loop3A_267 = arith.constant 0 : i32
        %parallel_loop3A_268 = tpu.memref_slice %arg6[%parallel_loop3A_266, %parallel_loop3A_267] : memref<4x10000xf32, #tpu.memory_space<vmem>> -> memref<1x10000xf32, #tpu.memory_space<vmem>>
        %parallel_loop3A_269 = tpu.memref_squeeze %parallel_loop3A_268 : memref<1x10000xf32, #tpu.memory_space<vmem>> -> memref<10000xf32, #tpu.memory_space<vmem>>
        %parallel_loop3A_270 = tpu.vector_load_idx %parallel_loop3A_269[%parallel_loop3A_226] : memref<10000xf32, #tpu.memory_space<vmem>>[vector<16xi32>], vector<16xf32>,
        %parallel_loop3A_271 = arith.addf %parallel_loop3A_270, %get3A_195 : vector<16xf32>
        %parallel_loop3A_272 = arith.constant 1 : i32
        %parallel_loop3A_273 = arith.index_cast %parallel_loop3A_272 : i32 to index
        %parallel_loop3A_274 = arith.index_cast %parallel_loop3A_250 : i32 to index
        %parallel_loop3A_275 = arith.index_cast %parallel_loop3A_254 : i32 to index
        %parallel_loop3A_276 = tpu.vector_load %arg12[%parallel_loop3A_273, %parallel_loop3A_274, %parallel_loop3A_275] {strides = array<i32>} : memref<4x32x128xf32, #tpu.memory_space<vmem>>, vector<16xf32>,
        tpu.vector_store %arg12[%parallel_loop3A_273, %parallel_loop3A_274, %parallel_loop3A_275], %parallel_loop3A_271 {strides = array<i32>} : memref<4x32x128xf32, #tpu.memory_space<vmem>>, vector<16xf32>,
        %parallel_loop3A_277 = arith.constant 2 : i32
        %parallel_loop3A_278 = arith.constant 0 : i32
        %parallel_loop3A_279 = tpu.memref_slice %arg6[%parallel_loop3A_277, %parallel_loop3A_278] : memref<4x10000xf32, #tpu.memory_space<vmem>> -> memref<1x10000xf32, #tpu.memory_space<vmem>>
        %parallel_loop3A_280 = tpu.memref_squeeze %parallel_loop3A_279 : memref<1x10000xf32, #tpu.memory_space<vmem>> -> memref<10000xf32, #tpu.memory_space<vmem>>
        %parallel_loop3A_281 = tpu.vector_load_idx %parallel_loop3A_280[%parallel_loop3A_226] : memref<10000xf32, #tpu.memory_space<vmem>>[vector<16xi32>], vector<16xf32>,
        %parallel_loop3A_282 = arith.addf %parallel_loop3A_281, %get3A_200 : vector<16xf32>
        %parallel_loop3A_283 = arith.constant 2 : i32
        %parallel_loop3A_284 = arith.index_cast %parallel_loop3A_283 : i32 to index
        %parallel_loop3A_285 = arith.index_cast %parallel_loop3A_250 : i32 to index
        %parallel_loop3A_286 = arith.index_cast %parallel_loop3A_254 : i32 to index
        %parallel_loop3A_287 = tpu.vector_load %arg12[%parallel_loop3A_284, %parallel_loop3A_285, %parallel_loop3A_286] {strides = array<i32>} : memref<4x32x128xf32, #tpu.memory_space<vmem>>, vector<16xf32>,
        tpu.vector_store %arg12[%parallel_loop3A_284, %parallel_loop3A_285, %parallel_loop3A_286], %parallel_loop3A_282 {strides = array<i32>} : memref<4x32x128xf32, #tpu.memory_space<vmem>>, vector<16xf32>,
        %parallel_loop3A_288 = arith.constant 3 : i32
        %parallel_loop3A_289 = arith.constant 0 : i32
        %parallel_loop3A_290 = tpu.memref_slice %arg6[%parallel_loop3A_288, %parallel_loop3A_289] : memref<4x10000xf32, #tpu.memory_space<vmem>> -> memref<1x10000xf32, #tpu.memory_space<vmem>>
        %parallel_loop3A_291 = tpu.memref_squeeze %parallel_loop3A_290 : memref<1x10000xf32, #tpu.memory_space<vmem>> -> memref<10000xf32, #tpu.memory_space<vmem>>
        %parallel_loop3A_292 = tpu.vector_load_idx %parallel_loop3A_291[%parallel_loop3A_226] : memref<10000xf32, #tpu.memory_space<vmem>>[vector<16xi32>], vector<16xf32>,
        %parallel_loop3A_293 = arith.addf %parallel_loop3A_292, %get3A_205 : vector<16xf32>
        %parallel_loop3A_294 = arith.constant 3 : i32
        %parallel_loop3A_295 = arith.index_cast %parallel_loop3A_294 : i32 to index
        %parallel_loop3A_296 = arith.index_cast %parallel_loop3A_250 : i32 to index
        %parallel_loop3A_297 = arith.index_cast %parallel_loop3A_254 : i32 to index
        %parallel_loop3A_298 = tpu.vector_load %arg12[%parallel_loop3A_295, %parallel_loop3A_296, %parallel_loop3A_297] {strides = array<i32>} : memref<4x32x128xf32, #tpu.memory_space<vmem>>, vector<16xf32>,
        tpu.vector_store %arg12[%parallel_loop3A_295, %parallel_loop3A_296, %parallel_loop3A_297], %parallel_loop3A_293 {strides = array<i32>} : memref<4x32x128xf32, #tpu.memory_space<vmem>>, vector<16xf32>,
      } {sc.loop_unroll_factor = 16 : i64, sc.parallel_access}
      %lt3A_209 = arith.constant 150 : i32
      %lt3A_210 = arith.cmpi slt, %add3A_168, %lt3A_209 : i32
      %convert_element_type3A_211 = arith.extui %lt3A_210 : i1 to i32
      %cond3A_212 = arith.constant 0 : i32
      %cond3A_213 = arith.cmpi ne, %convert_element_type3A_211, %cond3A_212 : i32
      scf.if %cond3A_213 {
        %add3A_222 = arith.constant 0 : i32
        %add3A_223 = arith.addi %mul3A_50, %add3A_222 : i32
        %dma_start3A_224 = arith.constant 0 : i32
        %dma_start3A_225 = arith.constant 0 : i32
        %dma_start3A_226 = arith.constant 0 : i32
        %dma_start3A_227 = tpu.memref_slice %arg12[%dma_start3A_224, %dma_start3A_225, %dma_start3A_226] : memref<4x32x128xf32, #tpu.memory_space<vmem>> -> memref<1x32x128xf32, #tpu.memory_space<vmem>>
        %dma_start3A_228 = tpu.memref_squeeze %dma_start3A_227 : memref<1x32x128xf32, #tpu.memory_space<vmem>> -> memref<32x128xf32, #tpu.memory_space<vmem>>
        %dma_start3A_229 = arith.constant 0 : i32
        %dma_start3A_230 = arith.constant 0 : i32
        %dma_start3A_231 = tpu.memref_slice %arg5[%add3A_168, %select_n3A_46, %dma_start3A_229, %add3A_223, %dma_start3A_230] : memref<150x4x32x8x128xf32, #tpu.memory_space<hbm>> -> memref<1x1x32x1x128xf32, #tpu.memory_space<hbm>>
        %dma_start3A_232 = tpu.memref_squeeze %dma_start3A_231 : memref<1x1x32x1x128xf32, #tpu.memory_space<hbm>> -> memref<32x128xf32, #tpu.memory_space<hbm>>
        %dma_start3A_233 = arith.constant 0 : i32
        %dma_start3A_234 = arith.constant 0 : i32
        %dma_start3A_235 = tpu.memref_slice %arg5[%add3A_168, %select_n3A_46, %dma_start3A_233, %add3A_223, %dma_start3A_234] : memref<150x4x32x8x128xf32, #tpu.memory_space<hbm>> -> memref<1x1x32x1x128xf32, #tpu.memory_space<hbm>>
        %dma_start3A_236 = tpu.memref_squeeze %dma_start3A_235 : memref<1x1x32x1x128xf32, #tpu.memory_space<hbm>> -> memref<32x128xf32, #tpu.memory_space<hbm>>
        %dma_start3A_237 = arith.constant 0 : i32
        %dma_start3A_238 = arith.constant 0 : i32
        %dma_start3A_239 = tpu.memref_slice %arg12[%dma_start3A_224, %dma_start3A_237, %dma_start3A_238] : memref<4x32x128xf32, #tpu.memory_space<vmem>> -> memref<1x32x128xf32, #tpu.memory_space<vmem>>
        %dma_start3A_240 = tpu.memref_squeeze %dma_start3A_239 : memref<1x32x128xf32, #tpu.memory_space<vmem>> -> memref<32x128xf32, #tpu.memory_space<vmem>>
        tpu.enqueue_dma source(%dma_start3A_240 : memref<32x128xf32, #tpu.memory_space<vmem>>) target(%dma_start3A_236 : memref<32x128xf32, #tpu.memory_space<hbm>>) target_semaphore(%arg16 : memref<!tpu.dma_semaphore, #tpu.memory_space<semaphore_mem>>)
        %add3A_241 = arith.constant 1 : i32
        %add3A_242 = arith.addi %mul3A_50, %add3A_241 : i32
        %dma_start3A_243 = arith.constant 1 : i32
        %dma_start3A_244 = arith.constant 0 : i32
        %dma_start3A_245 = arith.constant 0 : i32
        %dma_start3A_246 = tpu.memref_slice %arg12[%dma_start3A_243, %dma_start3A_244, %dma_start3A_245] : memref<4x32x128xf32, #tpu.memory_space<vmem>> -> memref<1x32x128xf32, #tpu.memory_space<vmem>>
        %dma_start3A_247 = tpu.memref_squeeze %dma_start3A_246 : memref<1x32x128xf32, #tpu.memory_space<vmem>> -> memref<32x128xf32, #tpu.memory_space<vmem>>
        %dma_start3A_248 = arith.constant 0 : i32
        %dma_start3A_249 = arith.constant 0 : i32
        %dma_start3A_250 = tpu.memref_slice %arg5[%add3A_168, %select_n3A_46, %dma_start3A_248, %add3A_242, %dma_start3A_249] : memref<150x4x32x8x128xf32, #tpu.memory_space<hbm>> -> memref<1x1x32x1x128xf32, #tpu.memory_space<hbm>>
        %dma_start3A_251 = tpu.memref_squeeze %dma_start3A_250 : memref<1x1x32x1x128xf32, #tpu.memory_space<hbm>> -> memref<32x128xf32, #tpu.memory_space<hbm>>
        %dma_start3A_252 = arith.constant 0 : i32
        %dma_start3A_253 = arith.constant 0 : i32
        %dma_start3A_254 = tpu.memref_slice %arg5[%add3A_168, %select_n3A_46, %dma_start3A_252, %add3A_242, %dma_start3A_253] : memref<150x4x32x8x128xf32, #tpu.memory_space<hbm>> -> memref<1x1x32x1x128xf32, #tpu.memory_space<hbm>>
        %dma_start3A_255 = tpu.memref_squeeze %dma_start3A_254 : memref<1x1x32x1x128xf32, #tpu.memory_space<hbm>> -> memref<32x128xf32, #tpu.memory_space<hbm>>
        %dma_start3A_256 = arith.constant 0 : i32
        %dma_start3A_257 = arith.constant 0 : i32
        %dma_start3A_258 = tpu.memref_slice %arg12[%dma_start3A_243, %dma_start3A_256, %dma_start3A_257] : memref<4x32x128xf32, #tpu.memory_space<vmem>> -> memref<1x32x128xf32, #tpu.memory_space<vmem>>
        %dma_start3A_259 = tpu.memref_squeeze %dma_start3A_258 : memref<1x32x128xf32, #tpu.memory_space<vmem>> -> memref<32x128xf32, #tpu.memory_space<vmem>>
        tpu.enqueue_dma source(%dma_start3A_259 : memref<32x128xf32, #tpu.memory_space<vmem>>) target(%dma_start3A_255 : memref<32x128xf32, #tpu.memory_space<hbm>>) target_semaphore(%arg16 : memref<!tpu.dma_semaphore, #tpu.memory_space<semaphore_mem>>)
        %add3A_260 = arith.constant 2 : i32
        %add3A_261 = arith.addi %mul3A_50, %add3A_260 : i32
        %dma_start3A_262 = arith.constant 2 : i32
        %dma_start3A_263 = arith.constant 0 : i32
        %dma_start3A_264 = arith.constant 0 : i32
        %dma_start3A_265 = tpu.memref_slice %arg12[%dma_start3A_262, %dma_start3A_263, %dma_start3A_264] : memref<4x32x128xf32, #tpu.memory_space<vmem>> -> memref<1x32x128xf32, #tpu.memory_space<vmem>>
        %dma_start3A_266 = tpu.memref_squeeze %dma_start3A_265 : memref<1x32x128xf32, #tpu.memory_space<vmem>> -> memref<32x128xf32, #tpu.memory_space<vmem>>
        %dma_start3A_267 = arith.constant 0 : i32
        %dma_start3A_268 = arith.constant 0 : i32
        %dma_start3A_269 = tpu.memref_slice %arg5[%add3A_168, %select_n3A_46, %dma_start3A_267, %add3A_261, %dma_start3A_268] : memref<150x4x32x8x128xf32, #tpu.memory_space<hbm>> -> memref<1x1x32x1x128xf32, #tpu.memory_space<hbm>>
        %dma_start3A_270 = tpu.memref_squeeze %dma_start3A_269 : memref<1x1x32x1x128xf32, #tpu.memory_space<hbm>> -> memref<32x128xf32, #tpu.memory_space<hbm>>
        %dma_start3A_271 = arith.constant 0 : i32
        %dma_start3A_272 = arith.constant 0 : i32
        %dma_start3A_273 = tpu.memref_slice %arg5[%add3A_168, %select_n3A_46, %dma_start3A_271, %add3A_261, %dma_start3A_272] : memref<150x4x32x8x128xf32, #tpu.memory_space<hbm>> -> memref<1x1x32x1x128xf32, #tpu.memory_space<hbm>>
        %dma_start3A_274 = tpu.memref_squeeze %dma_start3A_273 : memref<1x1x32x1x128xf32, #tpu.memory_space<hbm>> -> memref<32x128xf32, #tpu.memory_space<hbm>>
        %dma_start3A_275 = arith.constant 0 : i32
        %dma_start3A_276 = arith.constant 0 : i32
        %dma_start3A_277 = tpu.memref_slice %arg12[%dma_start3A_262, %dma_start3A_275, %dma_start3A_276] : memref<4x32x128xf32, #tpu.memory_space<vmem>> -> memref<1x32x128xf32, #tpu.memory_space<vmem>>
        %dma_start3A_278 = tpu.memref_squeeze %dma_start3A_277 : memref<1x32x128xf32, #tpu.memory_space<vmem>> -> memref<32x128xf32, #tpu.memory_space<vmem>>
        tpu.enqueue_dma source(%dma_start3A_278 : memref<32x128xf32, #tpu.memory_space<vmem>>) target(%dma_start3A_274 : memref<32x128xf32, #tpu.memory_space<hbm>>) target_semaphore(%arg16 : memref<!tpu.dma_semaphore, #tpu.memory_space<semaphore_mem>>)
        %add3A_279 = arith.constant 3 : i32
        %add3A_280 = arith.addi %mul3A_50, %add3A_279 : i32
        %dma_start3A_281 = arith.constant 3 : i32
        %dma_start3A_282 = arith.constant 0 : i32
        %dma_start3A_283 = arith.constant 0 : i32
        %dma_start3A_284 = tpu.memref_slice %arg12[%dma_start3A_281, %dma_start3A_282, %dma_start3A_283] : memref<4x32x128xf32, #tpu.memory_space<vmem>> -> memref<1x32x128xf32, #tpu.memory_space<vmem>>
        %dma_start3A_285 = tpu.memref_squeeze %dma_start3A_284 : memref<1x32x128xf32, #tpu.memory_space<vmem>> -> memref<32x128xf32, #tpu.memory_space<vmem>>
        %dma_start3A_286 = arith.constant 0 : i32
        %dma_start3A_287 = arith.constant 0 : i32
        %dma_start3A_288 = tpu.memref_slice %arg5[%add3A_168, %select_n3A_46, %dma_start3A_286, %add3A_280, %dma_start3A_287] : memref<150x4x32x8x128xf32, #tpu.memory_space<hbm>> -> memref<1x1x32x1x128xf32, #tpu.memory_space<hbm>>
        %dma_start3A_289 = tpu.memref_squeeze %dma_start3A_288 : memref<1x1x32x1x128xf32, #tpu.memory_space<hbm>> -> memref<32x128xf32, #tpu.memory_space<hbm>>
        %dma_start3A_290 = arith.constant 0 : i32
        %dma_start3A_291 = arith.constant 0 : i32
        %dma_start3A_292 = tpu.memref_slice %arg5[%add3A_168, %select_n3A_46, %dma_start3A_290, %add3A_280, %dma_start3A_291] : memref<150x4x32x8x128xf32, #tpu.memory_space<hbm>> -> memref<1x1x32x1x128xf32, #tpu.memory_space<hbm>>
        %dma_start3A_293 = tpu.memref_squeeze %dma_start3A_292 : memref<1x1x32x1x128xf32, #tpu.memory_space<hbm>> -> memref<32x128xf32, #tpu.memory_space<hbm>>
        %dma_start3A_294 = arith.constant 0 : i32
        %dma_start3A_295 = arith.constant 0 : i32
        %dma_start3A_296 = tpu.memref_slice %arg12[%dma_start3A_281, %dma_start3A_294, %dma_start3A_295] : memref<4x32x128xf32, #tpu.memory_space<vmem>> -> memref<1x32x128xf32, #tpu.memory_space<vmem>>
        %dma_start3A_297 = tpu.memref_squeeze %dma_start3A_296 : memref<1x32x128xf32, #tpu.memory_space<vmem>> -> memref<32x128xf32, #tpu.memory_space<vmem>>
        tpu.enqueue_dma source(%dma_start3A_297 : memref<32x128xf32, #tpu.memory_space<vmem>>) target(%dma_start3A_293 : memref<32x128xf32, #tpu.memory_space<hbm>>) target_semaphore(%arg16 : memref<!tpu.dma_semaphore, #tpu.memory_space<semaphore_mem>>)
      } else {
      }
      %add3A_214 = arith.constant 2 : i32
      %add3A_215 = arith.addi %add3A_167, %add3A_214 : i32
      %lt3A_216 = arith.constant 38 : i32
      %lt3A_217 = arith.cmpi slt, %add3A_215, %lt3A_216 : i32
      %convert_element_type3A_218 = arith.extui %lt3A_217 : i1 to i32
      %cond3A_219 = arith.constant 0 : i32
      %cond3A_220 = arith.cmpi ne, %convert_element_type3A_218, %cond3A_219 : i32
      scf.if %cond3A_220 {
        %add3A_222 = arith.constant 2 : i32
        %add3A_223 = arith.addi %add3A_167, %add3A_222 : i32
        %add3A_224 = arith.addi %mul3A_22, %add3A_223 : i32
        %min3A_225 = arith.constant 149 : i32
        %min3A_226 = arith.minsi %add3A_224, %min3A_225 : i32
        %dma_start3A_227 = arith.constant 0 : i32
        %dma_start3A_228 = tpu.memref_slice %arg2[%min3A_226, %dma_start3A_227] : memref<150x4096xi32, #tpu.memory_space<hbm>> -> memref<1x4096xi32, #tpu.memory_space<hbm>>
        %dma_start3A_229 = tpu.memref_squeeze %dma_start3A_228 : memref<1x4096xi32, #tpu.memory_space<hbm>> -> memref<4096xi32, #tpu.memory_space<hbm>>
        %dma_start3A_230 = arith.constant 0 : i32
        %dma_start3A_231 = tpu.memref_slice %arg2[%min3A_226, %dma_start3A_230] : memref<150x4096xi32, #tpu.memory_space<hbm>> -> memref<1x4096xi32, #tpu.memory_space<hbm>>
        %dma_start3A_232 = tpu.memref_squeeze %dma_start3A_231 : memref<1x4096xi32, #tpu.memory_space<hbm>> -> memref<4096xi32, #tpu.memory_space<hbm>>
        tpu.enqueue_dma source(%dma_start3A_232 : memref<4096xi32, #tpu.memory_space<hbm>>) target(%arg10 : memref<4096xi32, #tpu.memory_space<vmem>>) target_semaphore(%arg14 : memref<!tpu.dma_semaphore, #tpu.memory_space<semaphore_mem>>)
      } else {
      }
      %scan3A_221 = arith.constant 0 : i32
      scf.yield %scan3A_221 : i32
    }
    %scan3A_88 = arith.constant 19 : i32
    %add3A_89 = arith.constant 38 : i32
    %add3A_90 = arith.addi %mul3A_22, %add3A_89 : i32
    %sub3A_91 = arith.constant 2 : i32
    %sub3A_92 = arith.subi %add3A_90, %sub3A_91 : i32
    %add3A_93 = arith.constant 0 : i32
    %add3A_94 = arith.addi %sub3A_92, %add3A_93 : i32
    %lt3A = arith.constant 150 : i32
    %lt3A_95 = arith.cmpi slt, %add3A_94, %lt3A : i32
    %convert_element_type3A = arith.extui %lt3A_95 : i1 to i32
    %cond3A = arith.constant 0 : i32
    %cond3A_96 = arith.cmpi ne, %convert_element_type3A, %cond3A : i32
    scf.if %cond3A_96 {
      %dma_wait3A_108 = arith.constant 0 : i32
      %dma_wait3A_109 = arith.constant 0 : i32
      %dma_wait3A_110 = arith.constant 0 : i32
      %dma_wait3A_111 = arith.constant 0 : i32
      %dma_wait3A_112 = arith.constant 0 : i32
      %dma_wait3A_113 = arith.constant 0 : i32
      %dma_wait3A_114 = tpu.memref_slice %arg11[%dma_wait3A_108, %dma_wait3A_112, %dma_wait3A_113] : memref<4x32x128xf32, #tpu.memory_space<vmem>> -> memref<1x32x128xf32, #tpu.memory_space<vmem>>
      %dma_wait3A_115 = tpu.memref_squeeze %dma_wait3A_114 : memref<1x32x128xf32, #tpu.memory_space<vmem>> -> memref<32x128xf32, #tpu.memory_space<vmem>>
      %dma_wait3A_116 = arith.constant 0 : i32
      %dma_wait3A_117 = arith.constant 0 : i32
      %dma_wait3A_118 = tpu.memref_slice %arg5[%dma_wait3A_109, %dma_wait3A_110, %dma_wait3A_116, %dma_wait3A_111, %dma_wait3A_117] : memref<150x4x32x8x128xf32, #tpu.memory_space<hbm>> -> memref<1x1x32x1x128xf32, #tpu.memory_space<hbm>>
      %dma_wait3A_119 = tpu.memref_squeeze %dma_wait3A_118 : memref<1x1x32x1x128xf32, #tpu.memory_space<hbm>> -> memref<32x128xf32, #tpu.memory_space<hbm>>
      %dma_wait3A_120 = arith.constant 0 : i32
      %dma_wait3A_121 = arith.constant 0 : i32
      %dma_wait3A_122 = tpu.memref_slice %arg5[%dma_wait3A_109, %dma_wait3A_110, %dma_wait3A_120, %dma_wait3A_111, %dma_wait3A_121] : memref<150x4x32x8x128xf32, #tpu.memory_space<hbm>> -> memref<1x1x32x1x128xf32, #tpu.memory_space<hbm>>
      %dma_wait3A_123 = tpu.memref_squeeze %dma_wait3A_122 : memref<1x1x32x1x128xf32, #tpu.memory_space<hbm>> -> memref<32x128xf32, #tpu.memory_space<hbm>>
      %dma_wait3A_124 = arith.constant 0 : i32
      %dma_wait3A_125 = arith.constant 0 : i32
      %dma_wait3A_126 = tpu.memref_slice %arg11[%dma_wait3A_108, %dma_wait3A_124, %dma_wait3A_125] : memref<4x32x128xf32, #tpu.memory_space<vmem>> -> memref<1x32x128xf32, #tpu.memory_space<vmem>>
      %dma_wait3A_127 = tpu.memref_squeeze %dma_wait3A_126 : memref<1x32x128xf32, #tpu.memory_space<vmem>> -> memref<32x128xf32, #tpu.memory_space<vmem>>
      tpu.wait_dma2 semaphore(%arg15 : memref<!tpu.dma_semaphore, #tpu.memory_space<semaphore_mem>>) src(%dma_wait3A_127 : memref<32x128xf32, #tpu.memory_space<vmem>>) dst(%dma_wait3A_123 : memref<32x128xf32, #tpu.memory_space<hbm>>)
      %dma_wait3A_128 = arith.constant 1 : i32
      %dma_wait3A_129 = arith.constant 0 : i32
      %dma_wait3A_130 = arith.constant 0 : i32
      %dma_wait3A_131 = arith.constant 0 : i32
      %dma_wait3A_132 = arith.constant 0 : i32
      %dma_wait3A_133 = arith.constant 0 : i32
      %dma_wait3A_134 = tpu.memref_slice %arg11[%dma_wait3A_128, %dma_wait3A_132, %dma_wait3A_133] : memref<4x32x128xf32, #tpu.memory_space<vmem>> -> memref<1x32x128xf32, #tpu.memory_space<vmem>>
      %dma_wait3A_135 = tpu.memref_squeeze %dma_wait3A_134 : memref<1x32x128xf32, #tpu.memory_space<vmem>> -> memref<32x128xf32, #tpu.memory_space<vmem>>
      %dma_wait3A_136 = arith.constant 0 : i32
      %dma_wait3A_137 = arith.constant 0 : i32
      %dma_wait3A_138 = tpu.memref_slice %arg5[%dma_wait3A_129, %dma_wait3A_130, %dma_wait3A_136, %dma_wait3A_131, %dma_wait3A_137] : memref<150x4x32x8x128xf32, #tpu.memory_space<hbm>> -> memref<1x1x32x1x128xf32, #tpu.memory_space<hbm>>
      %dma_wait3A_139 = tpu.memref_squeeze %dma_wait3A_138 : memref<1x1x32x1x128xf32, #tpu.memory_space<hbm>> -> memref<32x128xf32, #tpu.memory_space<hbm>>
      %dma_wait3A_140 = arith.constant 0 : i32
      %dma_wait3A_141 = arith.constant 0 : i32
      %dma_wait3A_142 = tpu.memref_slice %arg5[%dma_wait3A_129, %dma_wait3A_130, %dma_wait3A_140, %dma_wait3A_131, %dma_wait3A_141] : memref<150x4x32x8x128xf32, #tpu.memory_space<hbm>> -> memref<1x1x32x1x128xf32, #tpu.memory_space<hbm>>
      %dma_wait3A_143 = tpu.memref_squeeze %dma_wait3A_142 : memref<1x1x32x1x128xf32, #tpu.memory_space<hbm>> -> memref<32x128xf32, #tpu.memory_space<hbm>>
      %dma_wait3A_144 = arith.constant 0 : i32
      %dma_wait3A_145 = arith.constant 0 : i32
      %dma_wait3A_146 = tpu.memref_slice %arg11[%dma_wait3A_128, %dma_wait3A_144, %dma_wait3A_145] : memref<4x32x128xf32, #tpu.memory_space<vmem>> -> memref<1x32x128xf32, #tpu.memory_space<vmem>>
      %dma_wait3A_147 = tpu.memref_squeeze %dma_wait3A_146 : memref<1x32x128xf32, #tpu.memory_space<vmem>> -> memref<32x128xf32, #tpu.memory_space<vmem>>
      tpu.wait_dma2 semaphore(%arg15 : memref<!tpu.dma_semaphore, #tpu.memory_space<semaphore_mem>>) src(%dma_wait3A_147 : memref<32x128xf32, #tpu.memory_space<vmem>>) dst(%dma_wait3A_143 : memref<32x128xf32, #tpu.memory_space<hbm>>)
      %dma_wait3A_148 = arith.constant 2 : i32
      %dma_wait3A_149 = arith.constant 0 : i32
      %dma_wait3A_150 = arith.constant 0 : i32
      %dma_wait3A_151 = arith.constant 0 : i32
      %dma_wait3A_152 = arith.constant 0 : i32
      %dma_wait3A_153 = arith.constant 0 : i32
      %dma_wait3A_154 = tpu.memref_slice %arg11[%dma_wait3A_148, %dma_wait3A_152, %dma_wait3A_153] : memref<4x32x128xf32, #tpu.memory_space<vmem>> -> memref<1x32x128xf32, #tpu.memory_space<vmem>>
      %dma_wait3A_155 = tpu.memref_squeeze %dma_wait3A_154 : memref<1x32x128xf32, #tpu.memory_space<vmem>> -> memref<32x128xf32, #tpu.memory_space<vmem>>
      %dma_wait3A_156 = arith.constant 0 : i32
      %dma_wait3A_157 = arith.constant 0 : i32
      %dma_wait3A_158 = tpu.memref_slice %arg5[%dma_wait3A_149, %dma_wait3A_150, %dma_wait3A_156, %dma_wait3A_151, %dma_wait3A_157] : memref<150x4x32x8x128xf32, #tpu.memory_space<hbm>> -> memref<1x1x32x1x128xf32, #tpu.memory_space<hbm>>
      %dma_wait3A_159 = tpu.memref_squeeze %dma_wait3A_158 : memref<1x1x32x1x128xf32, #tpu.memory_space<hbm>> -> memref<32x128xf32, #tpu.memory_space<hbm>>
      %dma_wait3A_160 = arith.constant 0 : i32
      %dma_wait3A_161 = arith.constant 0 : i32
      %dma_wait3A_162 = tpu.memref_slice %arg5[%dma_wait3A_149, %dma_wait3A_150, %dma_wait3A_160, %dma_wait3A_151, %dma_wait3A_161] : memref<150x4x32x8x128xf32, #tpu.memory_space<hbm>> -> memref<1x1x32x1x128xf32, #tpu.memory_space<hbm>>
      %dma_wait3A_163 = tpu.memref_squeeze %dma_wait3A_162 : memref<1x1x32x1x128xf32, #tpu.memory_space<hbm>> -> memref<32x128xf32, #tpu.memory_space<hbm>>
      %dma_wait3A_164 = arith.constant 0 : i32
      %dma_wait3A_165 = arith.constant 0 : i32
      %dma_wait3A_166 = tpu.memref_slice %arg11[%dma_wait3A_148, %dma_wait3A_164, %dma_wait3A_165] : memref<4x32x128xf32, #tpu.memory_space<vmem>> -> memref<1x32x128xf32, #tpu.memory_space<vmem>>
      %dma_wait3A_167 = tpu.memref_squeeze %dma_wait3A_166 : memref<1x32x128xf32, #tpu.memory_space<vmem>> -> memref<32x128xf32, #tpu.memory_space<vmem>>
      tpu.wait_dma2 semaphore(%arg15 : memref<!tpu.dma_semaphore, #tpu.memory_space<semaphore_mem>>) src(%dma_wait3A_167 : memref<32x128xf32, #tpu.memory_space<vmem>>) dst(%dma_wait3A_163 : memref<32x128xf32, #tpu.memory_space<hbm>>)
      %dma_wait3A_168 = arith.constant 3 : i32
      %dma_wait3A_169 = arith.constant 0 : i32
      %dma_wait3A_170 = arith.constant 0 : i32
      %dma_wait3A_171 = arith.constant 0 : i32
      %dma_wait3A_172 = arith.constant 0 : i32
      %dma_wait3A_173 = arith.constant 0 : i32
      %dma_wait3A_174 = tpu.memref_slice %arg11[%dma_wait3A_168, %dma_wait3A_172, %dma_wait3A_173] : memref<4x32x128xf32, #tpu.memory_space<vmem>> -> memref<1x32x128xf32, #tpu.memory_space<vmem>>
      %dma_wait3A_175 = tpu.memref_squeeze %dma_wait3A_174 : memref<1x32x128xf32, #tpu.memory_space<vmem>> -> memref<32x128xf32, #tpu.memory_space<vmem>>
      %dma_wait3A_176 = arith.constant 0 : i32
      %dma_wait3A_177 = arith.constant 0 : i32
      %dma_wait3A_178 = tpu.memref_slice %arg5[%dma_wait3A_169, %dma_wait3A_170, %dma_wait3A_176, %dma_wait3A_171, %dma_wait3A_177] : memref<150x4x32x8x128xf32, #tpu.memory_space<hbm>> -> memref<1x1x32x1x128xf32, #tpu.memory_space<hbm>>
      %dma_wait3A_179 = tpu.memref_squeeze %dma_wait3A_178 : memref<1x1x32x1x128xf32, #tpu.memory_space<hbm>> -> memref<32x128xf32, #tpu.memory_space<hbm>>
      %dma_wait3A_180 = arith.constant 0 : i32
      %dma_wait3A_181 = arith.constant 0 : i32
      %dma_wait3A_182 = tpu.memref_slice %arg5[%dma_wait3A_169, %dma_wait3A_170, %dma_wait3A_180, %dma_wait3A_171, %dma_wait3A_181] : memref<150x4x32x8x128xf32, #tpu.memory_space<hbm>> -> memref<1x1x32x1x128xf32, #tpu.memory_space<hbm>>
      %dma_wait3A_183 = tpu.memref_squeeze %dma_wait3A_182 : memref<1x1x32x1x128xf32, #tpu.memory_space<hbm>> -> memref<32x128xf32, #tpu.memory_space<hbm>>
      %dma_wait3A_184 = arith.constant 0 : i32
      %dma_wait3A_185 = arith.constant 0 : i32
      %dma_wait3A_186 = tpu.memref_slice %arg11[%dma_wait3A_168, %dma_wait3A_184, %dma_wait3A_185] : memref<4x32x128xf32, #tpu.memory_space<vmem>> -> memref<1x32x128xf32, #tpu.memory_space<vmem>>
      %dma_wait3A_187 = tpu.memref_squeeze %dma_wait3A_186 : memref<1x32x128xf32, #tpu.memory_space<vmem>> -> memref<32x128xf32, #tpu.memory_space<vmem>>
      tpu.wait_dma2 semaphore(%arg15 : memref<!tpu.dma_semaphore, #tpu.memory_space<semaphore_mem>>) src(%dma_wait3A_187 : memref<32x128xf32, #tpu.memory_space<vmem>>) dst(%dma_wait3A_183 : memref<32x128xf32, #tpu.memory_space<hbm>>)
    } else {
    }
    %add3A_97 = arith.constant 38 : i32
    %add3A_98 = arith.addi %mul3A_22, %add3A_97 : i32
    %sub3A_99 = arith.constant 2 : i32
    %sub3A_100 = arith.subi %add3A_98, %sub3A_99 : i32
    %add3A_101 = arith.constant 1 : i32
    %add3A_102 = arith.addi %sub3A_100, %add3A_101 : i32
    %lt3A_103 = arith.constant 150 : i32
    %lt3A_104 = arith.cmpi slt, %add3A_102, %lt3A_103 : i32
    %convert_element_type3A_105 = arith.extui %lt3A_104 : i1 to i32
    %cond3A_106 = arith.constant 0 : i32
    %cond3A_107 = arith.cmpi ne, %convert_element_type3A_105, %cond3A_106 : i32
    scf.if %cond3A_107 {
      %dma_wait3A_108 = arith.constant 0 : i32
      %dma_wait3A_109 = arith.constant 0 : i32
      %dma_wait3A_110 = arith.constant 0 : i32
      %dma_wait3A_111 = arith.constant 0 : i32
      %dma_wait3A_112 = arith.constant 0 : i32
      %dma_wait3A_113 = arith.constant 0 : i32
      %dma_wait3A_114 = tpu.memref_slice %arg12[%dma_wait3A_108, %dma_wait3A_112, %dma_wait3A_113] : memref<4x32x128xf32, #tpu.memory_space<vmem>> -> memref<1x32x128xf32, #tpu.memory_space<vmem>>
      %dma_wait3A_115 = tpu.memref_squeeze %dma_wait3A_114 : memref<1x32x128xf32, #tpu.memory_space<vmem>> -> memref<32x128xf32, #tpu.memory_space<vmem>>
      %dma_wait3A_116 = arith.constant 0 : i32
      %dma_wait3A_117 = arith.constant 0 : i32
      %dma_wait3A_118 = tpu.memref_slice %arg5[%dma_wait3A_109, %dma_wait3A_110, %dma_wait3A_116, %dma_wait3A_111, %dma_wait3A_117] : memref<150x4x32x8x128xf32, #tpu.memory_space<hbm>> -> memref<1x1x32x1x128xf32, #tpu.memory_space<hbm>>
      %dma_wait3A_119 = tpu.memref_squeeze %dma_wait3A_118 : memref<1x1x32x1x128xf32, #tpu.memory_space<hbm>> -> memref<32x128xf32, #tpu.memory_space<hbm>>
      %dma_wait3A_120 = arith.constant 0 : i32
      %dma_wait3A_121 = arith.constant 0 : i32
      %dma_wait3A_122 = tpu.memref_slice %arg5[%dma_wait3A_109, %dma_wait3A_110, %dma_wait3A_120, %dma_wait3A_111, %dma_wait3A_121] : memref<150x4x32x8x128xf32, #tpu.memory_space<hbm>> -> memref<1x1x32x1x128xf32, #tpu.memory_space<hbm>>
      %dma_wait3A_123 = tpu.memref_squeeze %dma_wait3A_122 : memref<1x1x32x1x128xf32, #tpu.memory_space<hbm>> -> memref<32x128xf32, #tpu.memory_space<hbm>>
      %dma_wait3A_124 = arith.constant 0 : i32
      %dma_wait3A_125 = arith.constant 0 : i32
      %dma_wait3A_126 = tpu.memref_slice %arg12[%dma_wait3A_108, %dma_wait3A_124, %dma_wait3A_125] : memref<4x32x128xf32, #tpu.memory_space<vmem>> -> memref<1x32x128xf32, #tpu.memory_space<vmem>>
      %dma_wait3A_127 = tpu.memref_squeeze %dma_wait3A_126 : memref<1x32x128xf32, #tpu.memory_space<vmem>> -> memref<32x128xf32, #tpu.memory_space<vmem>>
      tpu.wait_dma2 semaphore(%arg16 : memref<!tpu.dma_semaphore, #tpu.memory_space<semaphore_mem>>) src(%dma_wait3A_127 : memref<32x128xf32, #tpu.memory_space<vmem>>) dst(%dma_wait3A_123 : memref<32x128xf32, #tpu.memory_space<hbm>>)
      %dma_wait3A_128 = arith.constant 1 : i32
      %dma_wait3A_129 = arith.constant 0 : i32
      %dma_wait3A_130 = arith.constant 0 : i32
      %dma_wait3A_131 = arith.constant 0 : i32
      %dma_wait3A_132 = arith.constant 0 : i32
      %dma_wait3A_133 = arith.constant 0 : i32
      %dma_wait3A_134 = tpu.memref_slice %arg12[%dma_wait3A_128, %dma_wait3A_132, %dma_wait3A_133] : memref<4x32x128xf32, #tpu.memory_space<vmem>> -> memref<1x32x128xf32, #tpu.memory_space<vmem>>
      %dma_wait3A_135 = tpu.memref_squeeze %dma_wait3A_134 : memref<1x32x128xf32, #tpu.memory_space<vmem>> -> memref<32x128xf32, #tpu.memory_space<vmem>>
      %dma_wait3A_136 = arith.constant 0 : i32
      %dma_wait3A_137 = arith.constant 0 : i32
      %dma_wait3A_138 = tpu.memref_slice %arg5[%dma_wait3A_129, %dma_wait3A_130, %dma_wait3A_136, %dma_wait3A_131, %dma_wait3A_137] : memref<150x4x32x8x128xf32, #tpu.memory_space<hbm>> -> memref<1x1x32x1x128xf32, #tpu.memory_space<hbm>>
      %dma_wait3A_139 = tpu.memref_squeeze %dma_wait3A_138 : memref<1x1x32x1x128xf32, #tpu.memory_space<hbm>> -> memref<32x128xf32, #tpu.memory_space<hbm>>
      %dma_wait3A_140 = arith.constant 0 : i32
      %dma_wait3A_141 = arith.constant 0 : i32
      %dma_wait3A_142 = tpu.memref_slice %arg5[%dma_wait3A_129, %dma_wait3A_130, %dma_wait3A_140, %dma_wait3A_131, %dma_wait3A_141] : memref<150x4x32x8x128xf32, #tpu.memory_space<hbm>> -> memref<1x1x32x1x128xf32, #tpu.memory_space<hbm>>
      %dma_wait3A_143 = tpu.memref_squeeze %dma_wait3A_142 : memref<1x1x32x1x128xf32, #tpu.memory_space<hbm>> -> memref<32x128xf32, #tpu.memory_space<hbm>>
      %dma_wait3A_144 = arith.constant 0 : i32
      %dma_wait3A_145 = arith.constant 0 : i32
      %dma_wait3A_146 = tpu.memref_slice %arg12[%dma_wait3A_128, %dma_wait3A_144, %dma_wait3A_145] : memref<4x32x128xf32, #tpu.memory_space<vmem>> -> memref<1x32x128xf32, #tpu.memory_space<vmem>>
      %dma_wait3A_147 = tpu.memref_squeeze %dma_wait3A_146 : memref<1x32x128xf32, #tpu.memory_space<vmem>> -> memref<32x128xf32, #tpu.memory_space<vmem>>
      tpu.wait_dma2 semaphore(%arg16 : memref<!tpu.dma_semaphore, #tpu.memory_space<semaphore_mem>>) src(%dma_wait3A_147 : memref<32x128xf32, #tpu.memory_space<vmem>>) dst(%dma_wait3A_143 : memref<32x128xf32, #tpu.memory_space<hbm>>)
      %dma_wait3A_148 = arith.constant 2 : i32
      %dma_wait3A_149 = arith.constant 0 : i32
      %dma_wait3A_150 = arith.constant 0 : i32
      %dma_wait3A_151 = arith.constant 0 : i32
      %dma_wait3A_152 = arith.constant 0 : i32
      %dma_wait3A_153 = arith.constant 0 : i32
      %dma_wait3A_154 = tpu.memref_slice %arg12[%dma_wait3A_148, %dma_wait3A_152, %dma_wait3A_153] : memref<4x32x128xf32, #tpu.memory_space<vmem>> -> memref<1x32x128xf32, #tpu.memory_space<vmem>>
      %dma_wait3A_155 = tpu.memref_squeeze %dma_wait3A_154 : memref<1x32x128xf32, #tpu.memory_space<vmem>> -> memref<32x128xf32, #tpu.memory_space<vmem>>
      %dma_wait3A_156 = arith.constant 0 : i32
      %dma_wait3A_157 = arith.constant 0 : i32
      %dma_wait3A_158 = tpu.memref_slice %arg5[%dma_wait3A_149, %dma_wait3A_150, %dma_wait3A_156, %dma_wait3A_151, %dma_wait3A_157] : memref<150x4x32x8x128xf32, #tpu.memory_space<hbm>> -> memref<1x1x32x1x128xf32, #tpu.memory_space<hbm>>
      %dma_wait3A_159 = tpu.memref_squeeze %dma_wait3A_158 : memref<1x1x32x1x128xf32, #tpu.memory_space<hbm>> -> memref<32x128xf32, #tpu.memory_space<hbm>>
      %dma_wait3A_160 = arith.constant 0 : i32
      %dma_wait3A_161 = arith.constant 0 : i32
      %dma_wait3A_162 = tpu.memref_slice %arg5[%dma_wait3A_149, %dma_wait3A_150, %dma_wait3A_160, %dma_wait3A_151, %dma_wait3A_161] : memref<150x4x32x8x128xf32, #tpu.memory_space<hbm>> -> memref<1x1x32x1x128xf32, #tpu.memory_space<hbm>>
      %dma_wait3A_163 = tpu.memref_squeeze %dma_wait3A_162 : memref<1x1x32x1x128xf32, #tpu.memory_space<hbm>> -> memref<32x128xf32, #tpu.memory_space<hbm>>
      %dma_wait3A_164 = arith.constant 0 : i32
      %dma_wait3A_165 = arith.constant 0 : i32
      %dma_wait3A_166 = tpu.memref_slice %arg12[%dma_wait3A_148, %dma_wait3A_164, %dma_wait3A_165] : memref<4x32x128xf32, #tpu.memory_space<vmem>> -> memref<1x32x128xf32, #tpu.memory_space<vmem>>
      %dma_wait3A_167 = tpu.memref_squeeze %dma_wait3A_166 : memref<1x32x128xf32, #tpu.memory_space<vmem>> -> memref<32x128xf32, #tpu.memory_space<vmem>>
      tpu.wait_dma2 semaphore(%arg16 : memref<!tpu.dma_semaphore, #tpu.memory_space<semaphore_mem>>) src(%dma_wait3A_167 : memref<32x128xf32, #tpu.memory_space<vmem>>) dst(%dma_wait3A_163 : memref<32x128xf32, #tpu.memory_space<hbm>>)
      %dma_wait3A_168 = arith.constant 3 : i32
      %dma_wait3A_169 = arith.constant 0 : i32
      %dma_wait3A_170 = arith.constant 0 : i32
      %dma_wait3A_171 = arith.constant 0 : i32
      %dma_wait3A_172 = arith.constant 0 : i32
      %dma_wait3A_173 = arith.constant 0 : i32
      %dma_wait3A_174 = tpu.memref_slice %arg12[%dma_wait3A_168, %dma_wait3A_172, %dma_wait3A_173] : memref<4x32x128xf32, #tpu.memory_space<vmem>> -> memref<1x32x128xf32, #tpu.memory_space<vmem>>
      %dma_wait3A_175 = tpu.memref_squeeze %dma_wait3A_174 : memref<1x32x128xf32, #tpu.memory_space<vmem>> -> memref<32x128xf32, #tpu.memory_space<vmem>>
      %dma_wait3A_176 = arith.constant 0 : i32
      %dma_wait3A_177 = arith.constant 0 : i32
      %dma_wait3A_178 = tpu.memref_slice %arg5[%dma_wait3A_169, %dma_wait3A_170, %dma_wait3A_176, %dma_wait3A_171, %dma_wait3A_177] : memref<150x4x32x8x128xf32, #tpu.memory_space<hbm>> -> memref<1x1x32x1x128xf32, #tpu.memory_space<hbm>>
      %dma_wait3A_179 = tpu.memref_squeeze %dma_wait3A_178 : memref<1x1x32x1x128xf32, #tpu.memory_space<hbm>> -> memref<32x128xf32, #tpu.memory_space<hbm>>
      %dma_wait3A_180 = arith.constant 0 : i32
      %dma_wait3A_181 = arith.constant 0 : i32
      %dma_wait3A_182 = tpu.memref_slice %arg5[%dma_wait3A_169, %dma_wait3A_170, %dma_wait3A_180, %dma_wait3A_171, %dma_wait3A_181] : memref<150x4x32x8x128xf32, #tpu.memory_space<hbm>> -> memref<1x1x32x1x128xf32, #tpu.memory_space<hbm>>
      %dma_wait3A_183 = tpu.memref_squeeze %dma_wait3A_182 : memref<1x1x32x1x128xf32, #tpu.memory_space<hbm>> -> memref<32x128xf32, #tpu.memory_space<hbm>>
      %dma_wait3A_184 = arith.constant 0 : i32
      %dma_wait3A_185 = arith.constant 0 : i32
      %dma_wait3A_186 = tpu.memref_slice %arg12[%dma_wait3A_168, %dma_wait3A_184, %dma_wait3A_185] : memref<4x32x128xf32, #tpu.memory_space<vmem>> -> memref<1x32x128xf32, #tpu.memory_space<vmem>>
      %dma_wait3A_187 = tpu.memref_squeeze %dma_wait3A_186 : memref<1x32x128xf32, #tpu.memory_space<vmem>> -> memref<32x128xf32, #tpu.memory_space<vmem>>
      tpu.wait_dma2 semaphore(%arg16 : memref<!tpu.dma_semaphore, #tpu.memory_space<semaphore_mem>>) src(%dma_wait3A_187 : memref<32x128xf32, #tpu.memory_space<vmem>>) dst(%dma_wait3A_183 : memref<32x128xf32, #tpu.memory_space<hbm>>)
    } else {
    }
    return
  }
}

</mosaic_0001>

<sc_bundles>
// kernel: _emb_call.3.cloned.1.call-start
scs
__scs_entry_jumppad:
0x0: {  	(pc) =	sbr.rel $0x88, $3  }
0x1: {  	(tag) =	ssettag $0x0;
	lr =	simm.s32 $0x1  }
0x2: {  	[smem:$0x3F9E] =	sst lr;
	_ =	strace $0xD0000000  }
0x3: {  	_ = 	snop  }
0x4: {  	_ = 	snop  }
0x5: {  	_ = 	snop  }
0x6: {  	_ = 	snop  }
0x7: {  	_ = 	snop  }
__scs_overlays_trampoline_lowered:
0x8: {  	[smem:$0x3FAD] =	sst s0  }
0x9: {  	[smem:$0x3FAE] =	sst s1  }
0xa: {  	[smem:$0x3FAF] =	sst s2  }
0xb: {  	[smem:$0x3FB0] =	sst s3  }
0xc: {  	[smem:$0x3FB1] =	sst s4  }
0xd: {  	[smem:$0x3FB2] =	sst s5  }
0xe: {  	[smem:$0x3FB3] =	sst s6  }
0xf: {  	[smem:$0x3FB4] =	sst s7  }
0x10: {  	[smem:$0x3FB5] =	sst s8  }
0x11: {  	[smem:$0x3FB6] =	sst s9;
	s0 =	simm.s32 @!p0 $0x0  }
0x12: {  	s1 =	sld [smem:$0x3F9C];
	s0 =	simm.s32 @p0 $0x1  }
0x13: {  	[smem:$0x3FB7] =	sst s0;
	s0 =	simm.s32 @!p1 $0x0  }
0x14: {  	s2 =	sld [smem:$0x3F9B];
	s0 =	simm.s32 @p1 $0x1  }
0x15: {  	[smem:$0x3FB8] =	sst s0;
	s0 =	simm.s32 @!p2 $0x0  }
0x16: {  	s3 =	sld [smem:$0x3FDB];
	s0 =	simm.s32 @p2 $0x1  }
0x17: {  	s4 =	simm.s32 $0x1BF5;
	[smem:$0x3FBA] =	sst s0  }
0x18: {  	s0 =	sld [smem:$0x3F9D];
	_ =	swait.ge [sflag:s4], $0x0  }
0x19: {  	s7 =	sld [smem:$0x3F9E]  }
0x1a: {  	s8 =	sadd.s32 $0xFFFFE003, lr  }
0x1b: {  	s9 =	sadd.s32 $0xFFFFFEF7, lr;
	s5 =	simm.s32 $0xFFFFFFFF;
	p2 =	slt.u32 s8, $0xFFFFF086  }
0x1c: {  	p1 =	slt.u32 s9, $0xF7A;
	s5 =	simm.s32 @!p2 $0x0  }
0x1d: {  	s5 =	simm.s32 @p1 $0x1;
	p0 =	seq.s32 s7, s2  }
0x1e: {  	s7 =	smul.u32 @!p0 $0xF7A, s2;
	p2 =	seq.s32 @!p0 s5, $0x0  }
0x1f: {  	s9 =	smul.u32 $0xF7A, s1;
	s8 =	simm.s32 @!p0 $0x1BF5;
	p2 =	por !p2, p0  }
0x20: {  	[sflag:s8] =	ssyncset.s32 @!p0 $0xFFFFF086;
	s6 =	sadd.s32 @!p0 s3, s7;
	s7 =	simm.s32 @!p0 $0x108  }
0x21: {  	s3 =	sadd.s32 s3, s9;
	s6 =	sadd.s32 @!p0 $0x88, s6;
	s7 =	simm.s32 @p2 $0x1082  }
0x22: {  	[simem:s7], [sflag:s8] =	dma.local @!p0 [hbm:s6], $0xF7A  }
0x23: {  	s9 =	sor.u32 $0xD0000000, s2;
	s6 =	simm.s32 $0x108;
	_ =	swait.ge @!p0 [sflag:s8], $0x0  }
0x24: {  	s3 =	sadd.s32 $0x88, s3;
	s6 =	simm.s32 @!p1 $0x1082;
	[sflag:s4] =	ssyncset.s32 $0xFFFFF086  }
0x25: {  	[simem:s6], [sflag:s4] =	dma.local [hbm:s3], $0xF7A  }
0x26: {  	[smem:$0x3F9E] =	sst s1;
	(tag) =	ssettag s2;
	_ =	strace s9  }
0x27: {  	s1 =	sld [smem:$0x3FAE]  }
0x28: {  	s2 =	sld [smem:$0x3FAF]  }
0x29: {  	s4 =	sld [smem:$0x3FB1]  }
0x2a: {  	p0 =	seq.s32 s5, $0x0;
	s5 =	sld [smem:$0x3FB2]  }
0x2b: {  	s6 =	sld [smem:$0x3FB3]  }
0x2c: {  	s7 =	sld [smem:$0x3FB4]  }
0x2d: {  	s3 =	simm.s32 $0x108;
	s8 =	sld [smem:$0x3FB5]  }
0x2e: {  	s3 =	simm.s32 @!p0 $0x1082;
	s9 =	sld [smem:$0x3FB6]  }
0x2f: {  	lr =	sadd.s32 s0, s3;
	s0 =	sld [smem:$0x3FAD]  }
0x30: {  	s3 =	sld [smem:$0x3FB0]  }
0x31: {  	[smem:$0x3FB9] =	sst s10  }
0x32: {  	s10 =	sld [smem:$0x3FB7];
	_ =	sdelay $0x3  }
0x33: {  	p0 =	seq.s32 s10, $0x1;
	s10 =	sld [smem:$0x3FB9];
	_ =	sdelay $0x3  }
0x34: {  	[smem:$0x3FB9] =	sst s10  }
0x35: {  	s10 =	sld [smem:$0x3FB8];
	_ =	sdelay $0x3  }
0x36: {  	p1 =	seq.s32 s10, $0x1;
	s10 =	sld [smem:$0x3FB9];
	_ =	sdelay $0x3  }
0x37: {  	[smem:$0x3FB9] =	sst s10  }
0x38: {  	s10 =	sld [smem:$0x3FBA]  }
0x39: {  	_ = 	snop;
	(pc) =	sbr.ind lr, $3  }
0x3a: {  	_ = 	snop  }
0x3b: {  	_ = 	snop  }
0x3c: {  	p2 =	seq.s32 s10, $0x1;
	s10 =	sld [smem:$0x3FB9]  }
0x3d: {  	_ =	shalt  }
0x3e: {  	_ =	shalt  }
0x3f: {  	_ =	shalt  }
0x40: {  	_ =	shalt  }
0x41: {  	_ =	shalt  }
0x42: {  	_ =	shalt  }
0x43: {  	_ =	shalt  }
0x44: {  	_ =	shalt  }
0x45: {  	_ =	shalt  }
0x46: {  	_ =	shalt  }
0x47: {  	_ =	shalt  }
0x48: {  	_ =	shalt  }
0x49: {  	_ =	shalt  }
0x4a: {  	_ =	shalt  }
0x4b: {  	_ =	shalt  }
0x4c: {  	_ =	shalt  }
0x4d: {  	_ =	shalt  }
0x4e: {  	_ =	shalt  }
0x4f: {  	_ =	shalt  }
0x50: {  	_ =	shalt  }
0x51: {  	_ =	shalt  }
0x52: {  	_ =	shalt  }
0x53: {  	_ =	shalt  }
0x54: {  	_ =	shalt  }
0x55: {  	_ =	shalt  }
0x56: {  	_ =	shalt  }
0x57: {  	_ =	shalt  }
0x58: {  	_ =	shalt  }
0x59: {  	_ =	shalt  }
0x5a: {  	_ =	shalt  }
0x5b: {  	_ =	shalt  }
0x5c: {  	_ =	shalt  }
0x5d: {  	_ =	shalt  }
0x5e: {  	_ =	shalt  }
0x5f: {  	_ =	shalt  }
0x60: {  	_ =	shalt  }
0x61: {  	_ =	shalt  }
0x62: {  	_ =	shalt  }
0x63: {  	_ =	shalt  }
0x64: {  	_ =	shalt  }
0x65: {  	_ =	shalt  }
0x66: {  	_ =	shalt  }
0x67: {  	_ =	shalt  }
0x68: {  	_ =	shalt  }
0x69: {  	_ =	shalt  }
0x6a: {  	_ =	shalt  }
0x6b: {  	_ =	shalt  }
0x6c: {  	_ =	shalt  }
0x6d: {  	_ =	shalt  }
0x6e: {  	_ =	shalt  }
0x6f: {  	_ =	shalt  }
0x70: {  	_ =	shalt  }
0x71: {  	_ =	shalt  }
0x72: {  	_ =	shalt  }
0x73: {  	_ =	shalt  }
0x74: {  	_ =	shalt  }
0x75: {  	_ =	shalt  }
0x76: {  	_ =	shalt  }
0x77: {  	_ =	shalt  }
0x78: {  	_ =	shalt  }
0x79: {  	_ =	shalt  }
0x7a: {  	_ =	shalt  }
0x7b: {  	_ =	shalt  }
0x7c: {  	_ =	shalt  }
0x7d: {  	_ =	shalt  }
0x7e: {  	_ =	shalt  }
0x7f: {  	_ =	shalt  }
0x80: {  	_ =	shalt  }
0x81: {  	_ =	shalt  }
0x82: {  	_ =	shalt  }
0x83: {  	_ =	shalt  }
0x84: {  	_ =	shalt  }
0x85: {  	_ =	shalt  }
0x86: {  	_ =	shalt  }
0x87: {  	_ =	shalt  }
.Lfunc_end0:
.L_simem_size_0:
called_computation_lowered:
.L_overlay_start_0:
0x88: {  	s2 =	sld [smem:$0x3FD9]  }
0x89: {  	s3 =	sld [smem:$0x3FFE];
	_ =	sdelay $0x1  }
0x8a: {  	s1 =	srdreg.scid  }
0x8b: {  	s0 =	sand.u32 $0x1, s1  }
0x8c: {  	s17 =	sshll.u32 s0, $0xA;
	s2 =	sadd.s32 s3, s2  }
0x8d: {  	s2 =	sadd.s32 s2, s17  }
0x8e: {  	[smem:$0x3FC5] =	sst s2  }
0x8f: {  	_ = 	snop  }
0x90: {  	s2 =	sld [smem:$0x3FD0];
	(tm) =	ssettm $0x1  }
0x91: {  	s18 =	sld [smem:$0x3FFB];
	_ =	sdelay $0x3  }
0x92: {  	_ =	strace s18  }
0x93: {  	s3 =	sld [smem:$0x3FFC];
	_ =	sdelay $0x3  }
0x94: {  	_ =	strace s3  }
0x95: {  	s3 =	sld [smem:$0x3FFD];
	_ =	sdelay $0x3  }
0x96: {  	_ =	strace s3  }
0x97: {  	_ =	strace $0x8FFFFFFF  }
0x98: {  	s19 =	sld [smem:$0x3FDB];
	_ =	sdelay $0x1  }
0x99: {  	s4 =	simm.s32 $_scs_section_size  }
0x9a: {  	s5 =	simm.s32 $_size__tile_overlayer_lowered;
	s6 =	simm.s32 $_tile_overlayer_lowered  }
0x9b: {  	s22 =	simm.s32 $0x1BFF;
	s21 =	sshll.u32 s6, $0x1;
	s3 =	sadd.s32 s4, s19  }
0x9c: {  	s7 =	simm.s32 $0x0;
	s20 =	sshll.u32 s5, $0x1;
	s5 =	sadd.s32 s21, s3  }
0x9d: {  	[timem:s7], [sflag:s22] =	dma.local [hbm:s5], s20  }
0x9e: {  	_ =	swait.ge [sflag:s22], s20  }
0x9f: {  	s4 =	ssub.s32 $0x0, s20;
	[sflag:s22] =	ssyncset.done $0x0  }
0xa0: {  	[sflag:s22] =	ssyncadd.s32 s4;
	_ =	sdelay $0x1  }
0xa1: {  	s23 =	simm.s32 $0x1B8B  }
0xa2: {  	_ =	swait.ge [sflag:s23], $0x1  }
0xa3: {  	[sflag:s23] =	ssyncset.done $0x0  }
0xa4: {  	s25 =	simm.s32 $0x1B8E;
	s24 =	sld [smem:$0x3FFE];
	[sflag:s23] =	ssyncadd.s32 $0xFFFFFFFF  }
0xa5: {  	s26 =	simm.s32 $execute0_lowered;
	[smem:$0x3FD2] =	sst s25  }
0xa6: {  	s5 =	sshll.u32 s26, $0x1;
	_ =	strace $0x80000046;
	[dreg:$0x1] =	wrdreg $0xFFFFFFFF  }
0xa7: {  	s28 =	simm.s32 $_size_execute0_lowered;
	s3 =	sadd.s32 s3, s5;
	[dreg:$0x0] =	wrdreg $0x0  }
0xa8: {  	s5 =	sshll.u32 s28, $0x1;
	[dreg:$0x2] =	wrdreg s3  }
0xa9: {  	[dreg:$0x3] =	wrdreg s5  }
0xaa: {  	[dreg:$0x4] =	wrdreg $0xC0  }
0xab: {  	_ =	task [dreg:s7], $0x5FFFF  }
0xac: {  	[dreg:$0x1] =	wrdreg $0xFFFFFFFF  }
0xad: {  	[dreg:$0x0] =	wrdreg $0x60  }
0xae: {  	[dreg:$0x2] =	wrdreg s24  }
0xaf: {  	[dreg:$0x3] =	wrdreg s2  }
0xb0: {  	[dreg:$0x4] =	wrdreg $0x9  }
0xb1: {  	_ =	task.clear_ibuf [dreg:s7], $0x5FFFF;
	_ =	strace $0x90000046  }
0xb2: {  	s29 =	simm.s32 $0x9;
	_ =	strace $0x80000048  }
0xb3: {  	_ =	swait.ge [sflag:s29], $0x1  }
0xb4: {  	[sflag:s29] =	ssyncadd.s32 $0xFFFFFFFF  }
0xb5: {  	_ =	strace $0x90000048  }
0xb6: {  	_ =	sfence  }
0xb7: {  	s30 =	sld [smem:$0x0];
	_ =	sdelay $0x2  }
0xb8: {  	s31 =	sshll.u32 s1, $0xD;
	s1 =	sshrl.u32 s1, $0x2  }
0xb9: {  	s3 =	sand.u32 $0x4000, s31;
	s1 =	sadd.s32 s1, s30  }
0xba: {  	s0 =	sor.u32 s3, s0;
	s1 =	sshll.u32 s1, $0x11  }
0xbb: {  	s0 =	sor.u32 s1, s0  }
0xbc: {  	s0 =	sadd.s32 $0x8F2B, s0  }
0xbd: {  	[sflag:s0] =	ssyncadd.remote.s32 $0x1  }
0xbe: {  	_ =	sfence.sel $0xFFFF  }
0xbf: {  	[dreg:$0x0] =	wrdreg $0xFFFFFFFF;
	(pc) =	sbr.abs _section_cstart, $3  }
0xc0: {  	[dreg:$0x1] =	wrdreg $0xFFFFFFFF  }
0xc1: {  	_ =	task.clear_ibuf [dreg:s7], $0x2FFFF;
	_ =	strace $0x9FFFFFFF  }
0xc2: {  	(tm) =	ssettm $0x7FFFFFFF  }
0xc3: {  	_ =	shalt  }
tec
execute0_lowered:
.L_overlay_start_1:
0x0: {  	(tag) =	ssettag $0x1  }
0x1: {  	s0 =	stileid.u32;
	s5 =	rddreg [dreg:$0x0]  }
0x2: {  	s1 =	srdreg.scid;
	s2 =	rddreg [dreg:$0x1]  }
0x3: {  	s16 =	simm.s32 $0x9C40;
	s17 =	simm.s32 $0x5;
	s18 =	simm.s32 $0xB9C0  }
0x4: {  	s19 =	simm.s32 $0xC9C0;
	s3 =	sshll.u32 s0, $0x1;
	s8 =	sand.u32 $0x1, s1  }
0x5: {  	s4 =	sadd.s32 $0xA800, s5;
	s20 =	sshrl.u32 s0, $0x2;
	s6 =	sand.u32 $0x6, s3  }
0x6: {  	s3 =	simm.s32 $0x0;
	s10 =	ssub.s32 $0x2, s8;
	p1 =	seq.s32 s8, $0x1  }
0x7: {  	s31 =	smul.u32 $0x4C00, s20;
	s7 =	sor.u32 s8, s6;
	[smem:$0x7FF] =	sst s3  }
0x8: {  	s11 =	sshrl.u32 s10, $0x1;
	s29 =	sshrl.u32 s6, $0x1;
	s6 =	smul.u32 $0x26, s20  }
0x9: {  	s8 =	sshll.u32 s8, $0x9;
	s9 =	smul.u32 $0x1388, s7;
	_ =	strace $0x80000047  }
0xa: {  	p0 =	seq.s32 s7, $0x0;
	s15 =	ssub.s32 s10, s11;
	s10 =	simm.s32 $0x1  }
0xb: {  	s12 =	smul.u32 $0xA00, s7;
	s7 =	simm.s32 $0x1;
	p0 =	por !p0, !p1  }
0xc: {  	s14 =	sadd.s32 $0x3, s6;
	s15 =	smax.u32 s15, $0x1;
	s9 =	sadd.s32 s9, s5  }
0xd: {  	s5 =	sadd.s32 $0x600, s5;
	p0 =	por !p0, !p0;
	s30 =	sshrl.u32 s12, $0x2  }
0xe: {  	s10 =	simm.s32 @!p0 $0x0;
	s9 =	sadd.s32 $0xA00, s9;
	s21 =	sadd.s32 $0x9C40, s30  }
.Ltmp0:
0xf: {  	s22 =	sadd.s32 $0x9CE0, s30;
	s23 =	sadd.s32 $0x9D80, s30;
	(pc) =	sbr.rel .LBB2_1-.Ltmp0, $4  }
0x10: {  	s24 =	sadd.s32 $0x9E20, s30;
	p0 =	seq.s32 s20, $0x3;
	s20 =	simm.s32 $0x2710  }
0x11: {  	s13 =	ssub.s32 s29, s10;
	s10 =	sadd.s32 s4, s31;
	v0 =	vmov s21;
	s21 =	simm.s32 $0x4E20  }
0x12: {  	v1 =	vmov s22;
	s22 =	simm.s32 $0x7530;
	v2 =	vmov s23;
	s23 =	simm.s32 $0x2;
	v3 =	vmov s24;
	s24 =	simm.s32 $0x0  }
0x13: {  	s11 =	sadd.s32 $0x200, s10;
	s12 =	sshll.u32 s13, $0xF;
	s13 =	sadd.s32 $0x2, s6  }
.LBB2_10:
0x14: {  	s1 =	simm.s32 @!p0 $0x3  }
0x15: {  	_ =	swait.ge @!p0 [sflag:s1], $0x1000  }
0x16: {  	[sflag:s1] =	ssyncset.done @!p0 $0x0  }
0x17: {  	[sflag:s1] =	ssyncadd.s32 @!p0 $0xFFFFF000  }
0x18: {  	_ =	swait.ge @!p0 [sflag:s1], $0x1000  }
0x19: {  	[sflag:s1] =	ssyncset.done @!p0 $0x0  }
0x1a: {  	[sflag:s1] =	ssyncadd.s32 @!p0 $0xFFFFF000  }
0x1b: {  	_ =	swait.ge @!p0 [sflag:s1], $0x1000  }
0x1c: {  	[sflag:s1] =	ssyncset.done @!p0 $0x0  }
0x1d: {  	[sflag:s1] =	ssyncadd.s32 @!p0 $0xFFFFF000  }
0x1e: {  	_ =	swait.ge @!p0 [sflag:s1], $0x1000  }
0x1f: {  	[sflag:s1] =	ssyncset.done @!p0 $0x0  }
0x20: {  	[sflag:s1] =	ssyncadd.s32 @!p0 $0xFFFFF000;
	s1 =	simm.s32 @!p0 $0x4  }
0x21: {  	_ =	swait.ge @!p0 [sflag:s1], $0x1000  }
0x22: {  	[sflag:s1] =	ssyncset.done @!p0 $0x0  }
0x23: {  	[sflag:s1] =	ssyncadd.s32 @!p0 $0xFFFFF000  }
0x24: {  	_ =	swait.ge @!p0 [sflag:s1], $0x1000  }
0x25: {  	[sflag:s1] =	ssyncset.done @!p0 $0x0  }
0x26: {  	s24 =	sadd.s32 $0x1, s24;
	[sflag:s1] =	ssyncadd.s32 @!p0 $0xFFFFF000  }
0x27: {  	p1 =	sne.s32 s24, s15;
	_ =	swait.ge @!p0 [sflag:s1], $0x1000  }
.Ltmp1:
0x28: {  	[sflag:s1] =	ssyncset.done @!p0 $0x0;
	(pc) =	sbr.rel @!p1 .LBB2_11-.Ltmp1, $4  }
0x29: {  	[sflag:s1] =	ssyncadd.s32 @!p0 $0xFFFFF000  }
0x2a: {  	_ =	swait.ge @!p0 [sflag:s1], $0x1000  }
0x2b: {  	[sflag:s1] =	ssyncset.done @!p0 $0x0  }
0x2c: {  	[sflag:s1] =	ssyncadd.s32 @!p0 $0xFFFFF000  }
.LBB2_1:
0x2d: {  	[tilespmem:s3], [sflag:$0x1] =	stream.linear.gather [hbm4b:s9+s3], $0x9C40, $0x38;
	[tilespmem:$0x159C0] =	vst v63  }
0x2e: {  	s25 =	sadd.s32 $0x0, s6  }
0x2f: {  	[tilespmem:s16], [sflag:$0x5] =	stream.linear.gather [hbm4b:s5+s3], $0x1400, $0x38;
	[tilespmem:$0x159C0] =	vst v63  }
0x30: {  	p1 =	slt.s32 s25, $0x95;
	_ =	swait.ge [sflag:s17], $0x1400  }
0x31: {  	s25 =	simm.s32 @!p1 $0x95;
	[sflag:s17] =	ssyncset.done $0x0  }
0x32: {  	s26 =	sand.u32 $0xF0, s25;
	[sflag:s17] =	ssyncadd.s32 $0xFFFFEC00  }
0x33: {  	v5 =	vld.idx.msk [tilespmem:v0+s26+$0x0 ss:$0x1], $0xffff;
	_ =	sdelay $0x2  }
0x34: {  	s25 =	sand.u32 $0xF, s25  }
0x35: {  	v4 =	vmov s25  }
0x36: {  	v5 =	vperm.xlane v5, v4  }
0x37: {  	s25 =	simm.s32 $0xB060  }
0x38: {  	[tilespmem:s25+$0xFFFFFFE0] =	vst v5  }
0x39: {  	v5 =	vld.idx.msk [tilespmem:v1+s26+$0x0 ss:$0x1], $0xffff;
	_ =	sdelay $0x4  }
0x3a: {  	v5 =	vperm.xlane v5, v4;
	_ =	sdelay $0x1  }
0x3b: {  	[tilespmem:s25+$0xFFFFFFF0] =	vst v5  }
0x3c: {  	v5 =	vld.idx.msk [tilespmem:v2+s26+$0x0 ss:$0x1], $0xffff;
	_ =	sdelay $0x4  }
0x3d: {  	v5 =	vperm.xlane v5, v4;
	_ =	sdelay $0x1  }
0x3e: {  	[tilespmem:s25+$0x0] =	vst v5  }
0x3f: {  	v5 =	vld.idx.msk [tilespmem:v3+s26+$0x0 ss:$0x1], $0xffff;
	_ =	sdelay $0x3  }
0x40: {  	s28 =	sadd.s32 $0x1, s6;
	s26 =	simm.s32 $0x2  }
.LBB2_2:
0x41: {  	p1 =	sne.s32 s26, $0x25;
	p2 =	slt.s32 s28, $0x95;
	v4 =	vperm.xlane v5, v4  }
0x42: {  	s28 =	simm.s32 @!p2 $0x95  }
0x43: {  	s29 =	sand.u32 $0xF0, s28;
	[tilespmem:s25+$0x10] =	vst v4  }
0x44: {  	v5 =	vld.idx.msk [tilespmem:v0+s29+$0x0 ss:$0x1], $0xffff;
	_ =	sdelay $0x3  }
0x45: {  	s28 =	sand.u32 $0xF, s28  }
0x46: {  	v4 =	vmov s28  }
0x47: {  	v5 =	vperm.xlane v5, v4  }
0x48: {  	s25 =	sadd.s32 $0x40, s25  }
0x49: {  	[tilespmem:s25+$0xFFFFFFE0] =	vst v5  }
0x4a: {  	v5 =	vld.idx.msk [tilespmem:v1+s29+$0x0 ss:$0x1], $0xffff;
	_ =	sdelay $0x5  }
0x4b: {  	v5 =	vperm.xlane v5, v4;
	_ =	sdelay $0x1  }
0x4c: {  	[tilespmem:s25+$0xFFFFFFF0] =	vst v5  }
0x4d: {  	v5 =	vld.idx.msk [tilespmem:v2+s29+$0x0 ss:$0x1], $0xffff;
	_ =	sdelay $0x5  }
0x4e: {  	v5 =	vperm.xlane v5, v4;
	_ =	sdelay $0x1  }
0x4f: {  	[tilespmem:s25+$0x0] =	vst v5  }
0x50: {  	v5 =	vld.idx.msk [tilespmem:v3+s29+$0x0 ss:$0x1], $0xffff  }
.Ltmp2:
0x51: {  	(pc) =	sbr.rel @p1 .LBB2_2-.Ltmp2, $2  }
0x52: {  	_ =	sdelay $0x2  }
0x53: {  	s28 =	sadd.s32 s26, s6;
	s26 =	sadd.s32 $0x1, s26  }
0x54: {  	_ = 	snop  }
0x55: {  	p1 =	slt.s32 s28, $0x95;
	v4 =	vperm.xlane v5, v4  }
0x56: {  	s28 =	simm.s32 @!p1 $0x95  }
0x57: {  	s26 =	sand.u32 $0xF0, s28;
	[tilespmem:s25+$0x10] =	vst v4  }
0x58: {  	v4 =	vld.idx.msk [tilespmem:v0+s26+$0x0 ss:$0x1], $0xffff;
	_ =	sdelay $0x2  }
0x59: {  	s28 =	sand.u32 $0xF, s28  }
0x5a: {  	v5 =	vmov s28  }
0x5b: {  	v4 =	vperm.xlane v4, v5  }
0x5c: {  	s31 =	sadd.s32 $0x40, s25  }
0x5d: {  	[tilespmem:s31+$0xFFFFFFE0] =	vst v4  }
0x5e: {  	v4 =	vld.idx.msk [tilespmem:v1+s26+$0x0 ss:$0x1], $0xffff;
	_ =	sdelay $0x4  }
0x5f: {  	v4 =	vperm.xlane v4, v5;
	_ =	sdelay $0x1  }
0x60: {  	[tilespmem:s31+$0xFFFFFFF0] =	vst v4  }
0x61: {  	v4 =	vld.idx.msk [tilespmem:v2+s26+$0x0 ss:$0x1], $0xffff;
	_ =	sdelay $0x4  }
0x62: {  	v4 =	vperm.xlane v4, v5;
	_ =	sdelay $0x1  }
0x63: {  	[tilespmem:s31+$0x0] =	vst v4  }
0x64: {  	v4 =	vld.idx.msk [tilespmem:v3+s26+$0x0 ss:$0x1], $0xffff;
	_ =	sdelay $0x4  }
0x65: {  	v4 =	vperm.xlane v4, v5;
	_ =	sdelay $0x1  }
0x66: {  	[tilespmem:s31+$0x10] =	vst v4  }
0x67: {  	_ =	swait.ge [sflag:s7], $0x9C40  }
0x68: {  	[sflag:s7] =	ssyncset.done $0x0  }
0x69: {  	s25 =	simm.s32 $0x0;
	[sflag:s7] =	ssyncadd.s32 $0xFFFF63C0  }
0x6a: {  	[tilespmem:s18], [sflag:$0x1] =	stream.linear.gather [hbm4b:s10+s25], $0x1000, $0x38;
	[tilespmem:$0x159C0] =	vst v63  }
0x6b: {  	_ = 	snop  }
0x6c: {  	[tilespmem:s19], [sflag:$0x2] =	stream.linear.gather [hbm4b:s11+s25], $0x1000, $0x38;
	[tilespmem:$0x159C0] =	vst v63  }
.LBB2_4:
0x6d: {  	_ =	swait.ge [sflag:s7], $0x1000  }
0x6e: {  	p1 =	seq.s32 s25, $0x0;
	[sflag:s7] =	ssyncset.done $0x0  }
0x6f: {  	s26 =	simm.s32 @!p1 $0x3;
	[sflag:s7] =	ssyncadd.s32 $0xFFFFF000  }
0x70: {  	_ =	swait.ge @!p1 [sflag:s26], $0x1000  }
0x71: {  	[sflag:s26] =	ssyncset.done @!p1 $0x0  }
0x72: {  	[sflag:s26] =	ssyncadd.s32 @!p1 $0xFFFFF000  }
0x73: {  	_ =	swait.ge @!p1 [sflag:s26], $0x1000  }
0x74: {  	[sflag:s26] =	ssyncset.done @!p1 $0x0  }
0x75: {  	[sflag:s26] =	ssyncadd.s32 @!p1 $0xFFFFF000  }
0x76: {  	_ =	swait.ge @!p1 [sflag:s26], $0x1000  }
0x77: {  	[sflag:s26] =	ssyncset.done @!p1 $0x0  }
0x78: {  	[sflag:s26] =	ssyncadd.s32 @!p1 $0xFFFFF000  }
0x79: {  	_ =	swait.ge @!p1 [sflag:s26], $0x1000  }
0x7a: {  	s28 =	sshll.u32 s25, $0x7;
	[sflag:s26] =	ssyncset.done @!p1 $0x0  }
0x7b: {  	s1 =	sand.u32 $0x3FFFFF80, s28;
	[sflag:s26] =	ssyncadd.s32 @!p1 $0xFFFFF000  }
0x7c: {  	v5 =	vld [tilespmem:s1+$0xB040]  }
0x7d: {  	v6 =	vld [tilespmem:s1+$0xB050]  }
0x7e: {  	v7 =	vld [tilespmem:s1+$0xB060]  }
0x7f: {  	v4 =	vld [tilespmem:s1+$0xB070];
	s1 =	simm.s32 $0xBA40  }
0x80: {  	v23 =	vld [tilespmem:s1+$0x70]  }
0x81: {  	v21 =	vld [tilespmem:s1+$0xFFFFFF90]  }
0x82: {  	v20 =	vld [tilespmem:s1+$0xFFFFFFA0]  }
0x83: {  	v19 =	vld [tilespmem:s1+$0xFFFFFFB0]  }
0x84: {  	v18 =	vld [tilespmem:s1+$0xFFFFFFC0]  }
0x85: {  	v17 =	vld [tilespmem:s1+$0xFFFFFFD0]  }
0x86: {  	v16 =	vld [tilespmem:s1+$0xFFFFFFE0]  }
0x87: {  	v15 =	vld [tilespmem:s1+$0xFFFFFFF0]  }
0x88: {  	v14 =	vld [tilespmem:s1+$0x0]  }
0x89: {  	v13 =	vld [tilespmem:s1+$0x10]  }
0x8a: {  	v12 =	vld [tilespmem:s1+$0x20]  }
0x8b: {  	v11 =	vld [tilespmem:s1+$0x30]  }
0x8c: {  	v10 =	vld [tilespmem:s1+$0x40]  }
0x8d: {  	v9 =	vld [tilespmem:s1+$0x50]  }
0x8e: {  	v22 =	vld [tilespmem:s1+$0xFFFFFF80]  }
0x8f: {  	v8 =	vld.idx.msk [tilespmem:v23+s3+$0x0], $0xffff  }
0x90: {  	v25 =	vld.idx.msk [tilespmem:v21+s3+$0x0], $0xffff  }
0x91: {  	v26 =	vld.idx.msk [tilespmem:v20+s3+$0x0], $0xffff  }
0x92: {  	v27 =	vld.idx.msk [tilespmem:v19+s3+$0x0], $0xffff  }
0x93: {  	v28 =	vld.idx.msk [tilespmem:v18+s3+$0x0], $0xffff  }
0x94: {  	v29 =	vld.idx.msk [tilespmem:v17+s3+$0x0], $0xffff  }
0x95: {  	v30 =	vld.idx.msk [tilespmem:v16+s3+$0x0], $0xffff  }
0x96: {  	v31 =	vld.idx.msk [tilespmem:v22+s3+$0x0], $0xffff;
	v24 =	vadd.f32 v8, v5  }
0x97: {  	s28 =	simm.s32 $0xF9C0;
	v32 =	vld.idx.msk [tilespmem:v15+s3+$0x0], $0xffff;
	v25 =	vadd.f32 v25, v5  }
0x98: {  	v51 =	vld.idx.msk [tilespmem:v14+s3+$0x0], $0xffff;
	v26 =	vadd.f32 v26, v5;
	[tilespmem:s28+$0xFFFFE0F0] =	vst v24  }
0x99: {  	v53 =	vld.idx.msk [tilespmem:v13+s3+$0x0], $0xffff;
	v48 =	vadd.f32 v27, v5;
	[tilespmem:s28+$0xFFFFE010] =	vst v25  }
0x9a: {  	v55 =	vld.idx.msk [tilespmem:v12+s3+$0x0], $0xffff;
	v50 =	vadd.f32 v28, v5;
	[tilespmem:s28+$0xFFFFE020] =	vst v26  }
0x9b: {  	v57 =	vld.idx.msk [tilespmem:v11+s3+$0x0], $0xffff;
	v52 =	vadd.f32 v29, v5;
	[tilespmem:s28+$0xFFFFE030] =	vst v48  }
0x9c: {  	v59 =	vld.idx.msk [tilespmem:v10+s3+$0x0], $0xffff;
	v54 =	vadd.f32 v30, v5;
	[tilespmem:s28+$0xFFFFE040] =	vst v50  }
0x9d: {  	v60 =	vld.idx.msk [tilespmem:v9+s3+$0x0], $0xffff;
	v56 =	vadd.f32 v31, v5;
	[tilespmem:s28+$0xFFFFE050] =	vst v52  }
0x9e: {  	v8 =	vld [tilespmem:s1+$0x60];
	v58 =	vadd.f32 v32, v5;
	[tilespmem:s28+$0xFFFFE060] =	vst v54  }
0x9f: {  	v61 =	vadd.f32 v51, v5;
	[tilespmem:s28+$0xFFFFE000] =	vst v56;
	v24 =	vld.idx.msk [tilespmem:v23+s20+$0x0], $0xffff  }
0xa0: {  	v28 =	vadd.f32 v53, v5;
	[tilespmem:s28+$0xFFFFE070] =	vst v58;
	v63 =	vld.idx.msk [tilespmem:v22+s20+$0x0], $0xffff  }
0xa1: {  	v33 =	vadd.f32 v55, v5;
	[tilespmem:s28+$0xFFFFE080] =	vst v61;
	v34 =	vld.idx.msk [tilespmem:v21+s20+$0x0], $0xffff  }
0xa2: {  	v36 =	vadd.f32 v59, v5;
	[tilespmem:s28+$0xFFFFE090] =	vst v28;
	v35 =	vld.idx.msk [tilespmem:v20+s20+$0x0], $0xffff  }
0xa3: {  	v38 =	vadd.f32 v60, v5;
	[tilespmem:s28+$0xFFFFE0A0] =	vst v33;
	v37 =	vld.idx.msk [tilespmem:v19+s20+$0x0], $0xffff  }
0xa4: {  	[tilespmem:s28+$0xFFFFE0C0] =	vst v36;
	v39 =	vld.idx.msk [tilespmem:v18+s20+$0x0], $0xffff;
	v24 =	vadd.f32 v24, v6  }
0xa5: {  	[tilespmem:s28+$0xFFFFE0D0] =	vst v38;
	v42 =	vld.idx.msk [tilespmem:v17+s20+$0x0], $0xffff;
	v41 =	vadd.f32 v63, v6  }
0xa6: {  	v45 =	vld.idx.msk [tilespmem:v15+s20+$0x0], $0xffff;
	v44 =	vadd.f32 v34, v6;
	[tilespmem:s28+$0xFFFFF0F0] =	vst v24  }
0xa7: {  	v54 =	vld.idx.msk [tilespmem:v10+s20+$0x0], $0xffff;
	v46 =	vadd.f32 v35, v6;
	[tilespmem:s28+$0xFFFFF000] =	vst v41  }
0xa8: {  	v56 =	vld.idx.msk [tilespmem:v9+s20+$0x0], $0xffff;
	v48 =	vadd.f32 v37, v6;
	[tilespmem:s28+$0xFFFFF010] =	vst v44  }
0xa9: {  	v43 =	vld.idx.msk [tilespmem:v16+s20+$0x0], $0xffff;
	v50 =	vadd.f32 v39, v6;
	[tilespmem:s28+$0xFFFFF020] =	vst v46  }
0xaa: {  	v47 =	vld.idx.msk [tilespmem:v14+s20+$0x0], $0xffff;
	v52 =	vadd.f32 v42, v6;
	[tilespmem:s28+$0xFFFFF030] =	vst v48  }
0xab: {  	v51 =	vld.idx.msk [tilespmem:v12+s20+$0x0], $0xffff;
	v55 =	vadd.f32 v45, v6;
	[tilespmem:s28+$0xFFFFF040] =	vst v50  }
0xac: {  	v62 =	vld.idx.msk [tilespmem:v8+s3+$0x0], $0xffff;
	v35 =	vadd.f32 v54, v6;
	[tilespmem:s28+$0xFFFFF050] =	vst v52  }
0xad: {  	v37 =	vadd.f32 v56, v6;
	[tilespmem:s28+$0xFFFFF070] =	vst v55;
	v49 =	vld.idx.msk [tilespmem:v23+s21+$0x0], $0xffff  }
0xae: {  	v24 =	vadd.f32 v57, v5;
	[tilespmem:s28+$0xFFFFF0C0] =	vst v35;
	v59 =	vld.idx.msk [tilespmem:v22+s21+$0x0], $0xffff  }
0xaf: {  	v57 =	vadd.f32 v47, v6;
	[tilespmem:s28+$0xFFFFF0D0] =	vst v37;
	v61 =	vld.idx.msk [tilespmem:v21+s21+$0x0], $0xffff  }
0xb0: {  	v63 =	vld.idx.msk [tilespmem:v20+s21+$0x0], $0xffff;
	[tilespmem:s28+$0xFFFFE0B0] =	vst v24;
	v24 =	vadd.f32 v43, v6  }
0xb1: {  	v34 =	vld.idx.msk [tilespmem:v19+s21+$0x0], $0xffff;
	[tilespmem:s28+$0xFFFFF080] =	vst v57;
	v40 =	vadd.f32 v62, v5  }
0xb2: {  	v36 =	vld.idx.msk [tilespmem:v18+s21+$0x0], $0xffff;
	v62 =	vadd.f32 v51, v6;
	[tilespmem:s28+$0xFFFFF060] =	vst v24  }
0xb3: {  	v38 =	vld.idx.msk [tilespmem:v17+s21+$0x0], $0xffff;
	[tilespmem:s28+$0xFFFFE0E0] =	vst v40;
	v25 =	vadd.f32 v49, v7  }
0xb4: {  	v55 =	vld.idx.msk [tilespmem:v9+s21+$0x0], $0xffff;
	[tilespmem:s28+$0xFFFFF0A0] =	vst v62;
	v40 =	vadd.f32 v59, v7  }
0xb5: {  	v43 =	vld.idx.msk [tilespmem:v15+s21+$0x0], $0xffff;
	v42 =	vadd.f32 v61, v7;
	[tilespmem:s28+$0xF0] =	vst v25  }
0xb6: {  	v53 =	vld.idx.msk [tilespmem:v11+s20+$0x0], $0xffff;
	v44 =	vadd.f32 v63, v7;
	[tilespmem:s28+$0x0] =	vst v40  }
0xb7: {  	v45 =	vld.idx.msk [tilespmem:v14+s21+$0x0], $0xffff;
	v46 =	vadd.f32 v34, v7;
	[tilespmem:s28+$0x10] =	vst v42  }
0xb8: {  	v41 =	vld.idx.msk [tilespmem:v16+s21+$0x0], $0xffff;
	v48 =	vadd.f32 v36, v7;
	[tilespmem:s28+$0x20] =	vst v44  }
0xb9: {  	v49 =	vld.idx.msk [tilespmem:v13+s20+$0x0], $0xffff;
	v50 =	vadd.f32 v38, v7;
	[tilespmem:s28+$0x30] =	vst v46  }
0xba: {  	v58 =	vld.idx.msk [tilespmem:v8+s20+$0x0], $0xffff;
	v62 =	vadd.f32 v55, v7;
	[tilespmem:s28+$0x40] =	vst v48  }
0xbb: {  	v54 =	vadd.f32 v43, v7;
	v33 =	vadd.f32 v53, v6;
	v53 =	vld.idx.msk [tilespmem:v10+s21+$0x0], $0xffff;
	[tilespmem:s28+$0x50] =	vst v50  }
0xbc: {  	[tilespmem:s28+$0xD0] =	vst v62;
	v23 =	vld.idx.msk [tilespmem:v23+s22+$0x0], $0xffff  }
0xbd: {  	v56 =	vadd.f32 v45, v7;
	v22 =	vld.idx.msk [tilespmem:v22+s22+$0x0], $0xffff;
	[tilespmem:s28+$0x70] =	vst v54  }
0xbe: {  	v21 =	vld.idx.msk [tilespmem:v21+s22+$0x0], $0xffff;
	[tilespmem:s28+$0xFFFFF0B0] =	vst v33;
	v52 =	vadd.f32 v41, v7  }
0xbf: {  	v20 =	vld.idx.msk [tilespmem:v20+s22+$0x0], $0xffff;
	[tilespmem:s28+$0x80] =	vst v56;
	v60 =	vadd.f32 v49, v6  }
0xc0: {  	v19 =	vld.idx.msk [tilespmem:v19+s22+$0x0], $0xffff;
	v39 =	vadd.f32 v58, v6;
	[tilespmem:s28+$0x60] =	vst v52  }
0xc1: {  	v18 =	vld.idx.msk [tilespmem:v18+s22+$0x0], $0xffff;
	[tilespmem:s28+$0xFFFFF090] =	vst v60;
	v61 =	vadd.f32 v53, v7  }
0xc2: {  	v17 =	vld.idx.msk [tilespmem:v17+s22+$0x0], $0xffff;
	[tilespmem:s28+$0xFFFFF0E0] =	vst v39;
	v23 =	vadd.f32 v23, v4  }
0xc3: {  	v47 =	vld.idx.msk [tilespmem:v13+s21+$0x0], $0xffff;
	v22 =	vadd.f32 v22, v4;
	[tilespmem:s28+$0xC0] =	vst v61  }
0xc4: {  	v49 =	vld.idx.msk [tilespmem:v12+s21+$0x0], $0xffff;
	v21 =	vadd.f32 v21, v4;
	[tilespmem:s28+$0x10F0] =	vst v23  }
0xc5: {  	v51 =	vld.idx.msk [tilespmem:v11+s21+$0x0], $0xffff;
	v20 =	vadd.f32 v20, v4;
	[tilespmem:s28+$0x1000] =	vst v22  }
0xc6: {  	v9 =	vld.idx.msk [tilespmem:v9+s22+$0x0], $0xffff;
	v19 =	vadd.f32 v19, v4;
	[tilespmem:s28+$0x1010] =	vst v21  }
0xc7: {  	v57 =	vld.idx.msk [tilespmem:v8+s21+$0x0], $0xffff;
	v18 =	vadd.f32 v18, v4;
	[tilespmem:s28+$0x1020] =	vst v20  }
0xc8: {  	v16 =	vld.idx.msk [tilespmem:v16+s22+$0x0], $0xffff;
	[tilespmem:s28+$0x1030] =	vst v19;
	v58 =	vadd.f32 v47, v7  }
0xc9: {  	v15 =	vld.idx.msk [tilespmem:v15+s22+$0x0], $0xffff;
	v59 =	vadd.f32 v49, v7;
	[tilespmem:s28+$0x1040] =	vst v18  }
0xca: {  	v14 =	vld.idx.msk [tilespmem:v14+s22+$0x0], $0xffff;
	v60 =	vadd.f32 v51, v7;
	[tilespmem:s28+$0x90] =	vst v58  }
0xcb: {  	v17 =	vadd.f32 v17, v4;
	[tilespmem:s28+$0xA0] =	vst v59;
	v13 =	vld.idx.msk [tilespmem:v13+s22+$0x0], $0xffff  }
0xcc: {  	[tilespmem:s28+$0xB0] =	vst v60;
	v63 =	vadd.f32 v57, v7;
	v12 =	vld.idx.msk [tilespmem:v12+s22+$0x0], $0xffff  }
0xcd: {  	[tilespmem:s28+$0x1050] =	vst v17;
	v16 =	vadd.f32 v16, v4;
	v11 =	vld.idx.msk [tilespmem:v11+s22+$0x0], $0xffff  }
0xce: {  	s26 =	sshll.u32 s25, $0x1;
	v15 =	vadd.f32 v15, v4;
	v10 =	vld.idx.msk [tilespmem:v10+s22+$0x0], $0xffff;
	[tilespmem:s28+$0xE0] =	vst v63  }
0xcf: {  	s30 =	simm.s32 $0x0;
	s31 =	simm.s32 $0xBB40;
	s29 =	sadd.s32 s6, s26;
	v14 =	vadd.f32 v14, v4;
	[tilespmem:s28+$0x1060] =	vst v16;
	v8 =	vld.idx.msk [tilespmem:v8+s22+$0x0], $0xffff  }
.LBB2_5:
0xd0: {  	v23 =	vld [tilespmem:s31+$0x70];
	s30 =	sadd.s32 $0x10, s30;
	[tilespmem:s28+$0x1070] =	vst v15;
	v13 =	vadd.f32 v13, v4  }
0xd1: {  	v12 =	vadd.f32 v12, v4;
	v16 =	vld [tilespmem:s31+$0xFFFFFF90];
	p2 =	slt.u32 s30, $0xF0;
	[tilespmem:s28+$0x1080] =	vst v14  }
0xd2: {  	v11 =	vadd.f32 v11, v4;
	v18 =	vld [tilespmem:s31+$0xFFFFFFA0];
	[tilespmem:s28+$0x1090] =	vst v13  }
0xd3: {  	v10 =	vadd.f32 v10, v4;
	v19 =	vld [tilespmem:s31+$0xFFFFFFB0];
	[tilespmem:s28+$0x10A0] =	vst v12  }
0xd4: {  	v9 =	vadd.f32 v9, v4;
	v20 =	vld [tilespmem:s31+$0xFFFFFFC0];
	[tilespmem:s28+$0x10B0] =	vst v11  }
0xd5: {  	v8 =	vadd.f32 v8, v4;
	v21 =	vld [tilespmem:s31+$0xFFFFFFD0];
	[tilespmem:s28+$0x10C0] =	vst v10  }
0xd6: {  	v17 =	vld [tilespmem:s31+$0xFFFFFFE0];
	[tilespmem:s28+$0x10D0] =	vst v9  }
0xd7: {  	v14 =	vld [tilespmem:s31+$0xFFFFFFF0];
	[tilespmem:s28+$0x10E0] =	vst v8  }
0xd8: {  	v8 =	vld.idx.msk [tilespmem:v23+s3+$0x0], $0xffff  }
0xd9: {  	v15 =	vld [tilespmem:s31+$0x0]  }
0xda: {  	v13 =	vld [tilespmem:s31+$0x10]  }
0xdb: {  	v12 =	vld [tilespmem:s31+$0x20]  }
0xdc: {  	v11 =	vld [tilespmem:s31+$0x30]  }
0xdd: {  	v10 =	vld [tilespmem:s31+$0x40]  }
0xde: {  	v24 =	vadd.f32 v8, v5;
	v9 =	vld [tilespmem:s31+$0x50]  }
0xdf: {  	s28 =	sadd.s32 $0x100, s28;
	v8 =	vld [tilespmem:s31+$0x60]  }
0xe0: {  	v22 =	vld [tilespmem:s31+$0xFFFFFF80];
	[tilespmem:s28+$0xFFFFE0F0] =	vst v24  }
0xe1: {  	v24 =	vld.idx.msk [tilespmem:v23+s20+$0x0], $0xffff  }
0xe2: {  	v25 =	vld.idx.msk [tilespmem:v16+s3+$0x0], $0xffff  }
0xe3: {  	v26 =	vld.idx.msk [tilespmem:v18+s3+$0x0], $0xffff  }
0xe4: {  	v27 =	vld.idx.msk [tilespmem:v19+s3+$0x0], $0xffff  }
0xe5: {  	v28 =	vld.idx.msk [tilespmem:v20+s3+$0x0], $0xffff  }
0xe6: {  	v29 =	vld.idx.msk [tilespmem:v21+s3+$0x0], $0xffff  }
0xe7: {  	v24 =	vadd.f32 v24, v6;
	v30 =	vld.idx.msk [tilespmem:v17+s3+$0x0], $0xffff  }
0xe8: {  	v25 =	vadd.f32 v25, v5;
	v31 =	vld.idx.msk [tilespmem:v22+s3+$0x0], $0xffff  }
0xe9: {  	v26 =	vadd.f32 v26, v5;
	v32 =	vld.idx.msk [tilespmem:v14+s3+$0x0], $0xffff;
	[tilespmem:s28+$0xFFFFF0F0] =	vst v24  }
0xea: {  	v24 =	vadd.f32 v27, v5;
	[tilespmem:s28+$0xFFFFE010] =	vst v25;
	v25 =	vld.idx.msk [tilespmem:v23+s21+$0x0], $0xffff  }
0xeb: {  	[tilespmem:s28+$0xFFFFE020] =	vst v26;
	v26 =	vadd.f32 v28, v5;
	v27 =	vld.idx.msk [tilespmem:v15+s3+$0x0], $0xffff  }
0xec: {  	[tilespmem:s28+$0xFFFFE030] =	vst v24;
	v24 =	vadd.f32 v29, v5;
	v28 =	vld.idx.msk [tilespmem:v13+s3+$0x0], $0xffff  }
0xed: {  	[tilespmem:s28+$0xFFFFE040] =	vst v26;
	v26 =	vadd.f32 v30, v5;
	v29 =	vld.idx.msk [tilespmem:v12+s3+$0x0], $0xffff  }
0xee: {  	v30 =	vadd.f32 v31, v5;
	[tilespmem:s28+$0xFFFFE050] =	vst v24;
	v24 =	vld.idx.msk [tilespmem:v11+s3+$0x0], $0xffff  }
0xef: {  	[tilespmem:s28+$0xFFFFE060] =	vst v26;
	v26 =	vadd.f32 v32, v5;
	v31 =	vld.idx.msk [tilespmem:v10+s3+$0x0], $0xffff  }
0xf0: {  	v25 =	vadd.f32 v25, v7;
	[tilespmem:s28+$0xFFFFE000] =	vst v30;
	v30 =	vld.idx.msk [tilespmem:v9+s3+$0x0], $0xffff  }
0xf1: {  	[tilespmem:s28+$0xFFFFE070] =	vst v26;
	v26 =	vadd.f32 v27, v5;
	v27 =	vld.idx.msk [tilespmem:v8+s3+$0x0], $0xffff  }
0xf2: {  	v28 =	vadd.f32 v28, v5;
	v32 =	vld.idx.msk [tilespmem:v22+s20+$0x0], $0xffff;
	[tilespmem:s28+$0xF0] =	vst v25  }
0xf3: {  	v25 =	vadd.f32 v29, v5;
	[tilespmem:s28+$0xFFFFE080] =	vst v26;
	v23 =	vld.idx.msk [tilespmem:v23+s22+$0x0], $0xffff  }
0xf4: {  	v24 =	vadd.f32 v24, v5;
	v26 =	vld.idx.msk [tilespmem:v16+s20+$0x0], $0xffff;
	[tilespmem:s28+$0xFFFFE090] =	vst v28  }
0xf5: {  	v28 =	vld.idx.msk [tilespmem:v18+s20+$0x0], $0xffff;
	[tilespmem:s28+$0xFFFFE0A0] =	vst v25;
	v25 =	vadd.f32 v31, v5  }
0xf6: {  	v29 =	vld.idx.msk [tilespmem:v19+s20+$0x0], $0xffff;
	[tilespmem:s28+$0xFFFFE0B0] =	vst v24;
	v24 =	vadd.f32 v30, v5  }
0xf7: {  	v30 =	vld.idx.msk [tilespmem:v20+s20+$0x0], $0xffff;
	[tilespmem:s28+$0xFFFFE0C0] =	vst v25;
	v25 =	vadd.f32 v27, v5  }
0xf8: {  	v27 =	vadd.f32 v32, v6;
	v31 =	vld.idx.msk [tilespmem:v21+s20+$0x0], $0xffff;
	[tilespmem:s28+$0xFFFFE0D0] =	vst v24  }
0xf9: {  	v23 =	vadd.f32 v23, v4;
	v24 =	vld.idx.msk [tilespmem:v17+s20+$0x0], $0xffff;
	[tilespmem:s28+$0xFFFFE0E0] =	vst v25  }
0xfa: {  	v25 =	vadd.f32 v26, v6;
	[tilespmem:s28+$0xFFFFF000] =	vst v27;
	v26 =	vld.idx.msk [tilespmem:v14+s20+$0x0], $0xffff  }
0xfb: {  	v27 =	vadd.f32 v28, v6;
	v28 =	vld.idx.msk [tilespmem:v15+s20+$0x0], $0xffff;
	[tilespmem:s28+$0x10F0] =	vst v23  }
0xfc: {  	v23 =	vadd.f32 v29, v6;
	[tilespmem:s28+$0xFFFFF010] =	vst v25;
	v25 =	vld.idx.msk [tilespmem:v13+s20+$0x0], $0xffff  }
0xfd: {  	[tilespmem:s28+$0xFFFFF020] =	vst v27;
	v27 =	vadd.f32 v30, v6;
	v29 =	vld.idx.msk [tilespmem:v12+s20+$0x0], $0xffff  }
0xfe: {  	[tilespmem:s28+$0xFFFFF030] =	vst v23;
	v23 =	vadd.f32 v31, v6;
	v30 =	vld.idx.msk [tilespmem:v11+s20+$0x0], $0xffff  }
0xff: {  	v24 =	vadd.f32 v24, v6;
	[tilespmem:s28+$0xFFFFF040] =	vst v27;
	v27 =	vld.idx.msk [tilespmem:v10+s20+$0x0], $0xffff  }
0x100: {  	[tilespmem:s28+$0xFFFFF050] =	vst v23;
	v23 =	vadd.f32 v26, v6;
	v26 =	vld.idx.msk [tilespmem:v9+s20+$0x0], $0xffff  }
0x101: {  	[tilespmem:s28+$0xFFFFF060] =	vst v24;
	v24 =	vadd.f32 v28, v6;
	v28 =	vld.idx.msk [tilespmem:v8+s20+$0x0], $0xffff  }
0x102: {  	v31 =	vld.idx.msk [tilespmem:v22+s21+$0x0], $0xffff;
	[tilespmem:s28+$0xFFFFF070] =	vst v23;
	v23 =	vadd.f32 v25, v6  }
0x103: {  	v25 =	vld.idx.msk [tilespmem:v16+s21+$0x0], $0xffff;
	[tilespmem:s28+$0xFFFFF080] =	vst v24;
	v24 =	vadd.f32 v29, v6  }
0x104: {  	v29 =	vld.idx.msk [tilespmem:v18+s21+$0x0], $0xffff;
	[tilespmem:s28+$0xFFFFF090] =	vst v23;
	v23 =	vadd.f32 v30, v6  }
0x105: {  	v30 =	vld.idx.msk [tilespmem:v19+s21+$0x0], $0xffff;
	[tilespmem:s28+$0xFFFFF0A0] =	vst v24;
	v24 =	vadd.f32 v27, v6  }
0x106: {  	v27 =	vld.idx.msk [tilespmem:v20+s21+$0x0], $0xffff;
	[tilespmem:s28+$0xFFFFF0B0] =	vst v23;
	v23 =	vadd.f32 v26, v6  }
0x107: {  	v26 =	vld.idx.msk [tilespmem:v21+s21+$0x0], $0xffff;
	[tilespmem:s28+$0xFFFFF0C0] =	vst v24;
	v24 =	vadd.f32 v28, v6  }
0x108: {  	v28 =	vadd.f32 v31, v7;
	v31 =	vld.idx.msk [tilespmem:v17+s21+$0x0], $0xffff;
	[tilespmem:s28+$0xFFFFF0D0] =	vst v23  }
0x109: {  	v23 =	vadd.f32 v25, v7;
	v25 =	vld.idx.msk [tilespmem:v14+s21+$0x0], $0xffff;
	[tilespmem:s28+$0xFFFFF0E0] =	vst v24  }
0x10a: {  	v24 =	vadd.f32 v29, v7;
	[tilespmem:s28+$0x0] =	vst v28;
	v28 =	vld.idx.msk [tilespmem:v15+s21+$0x0], $0xffff  }
0x10b: {  	[tilespmem:s28+$0x10] =	vst v23;
	v23 =	vadd.f32 v30, v7;
	v29 =	vld.idx.msk [tilespmem:v13+s21+$0x0], $0xffff  }
0x10c: {  	[tilespmem:s28+$0x20] =	vst v24;
	v24 =	vadd.f32 v27, v7;
	v27 =	vld.idx.msk [tilespmem:v12+s21+$0x0], $0xffff  }
0x10d: {  	[tilespmem:s28+$0x30] =	vst v23;
	v23 =	vadd.f32 v26, v7;
	v26 =	vld.idx.msk [tilespmem:v11+s21+$0x0], $0xffff  }
0x10e: {  	[tilespmem:s28+$0x40] =	vst v24;
	v24 =	vadd.f32 v31, v7;
	v30 =	vld.idx.msk [tilespmem:v10+s21+$0x0], $0xffff  }
0x10f: {  	[tilespmem:s28+$0x50] =	vst v23;
	v23 =	vadd.f32 v25, v7;
	v25 =	vld.idx.msk [tilespmem:v9+s21+$0x0], $0xffff  }
0x110: {  	[tilespmem:s28+$0x60] =	vst v24;
	v24 =	vadd.f32 v28, v7;
	v28 =	vld.idx.msk [tilespmem:v8+s21+$0x0], $0xffff  }
0x111: {  	v22 =	vld.idx.msk [tilespmem:v22+s22+$0x0], $0xffff;
	[tilespmem:s28+$0x70] =	vst v23;
	v23 =	vadd.f32 v29, v7  }
0x112: {  	v16 =	vld.idx.msk [tilespmem:v16+s22+$0x0], $0xffff;
	[tilespmem:s28+$0x80] =	vst v24;
	v24 =	vadd.f32 v27, v7  }
0x113: {  	v18 =	vld.idx.msk [tilespmem:v18+s22+$0x0], $0xffff;
	[tilespmem:s28+$0x90] =	vst v23;
	v23 =	vadd.f32 v26, v7  }
0x114: {  	v19 =	vld.idx.msk [tilespmem:v19+s22+$0x0], $0xffff;
	[tilespmem:s28+$0xA0] =	vst v24;
	v24 =	vadd.f32 v30, v7  }
0x115: {  	v20 =	vld.idx.msk [tilespmem:v20+s22+$0x0], $0xffff;
	[tilespmem:s28+$0xB0] =	vst v23;
	v23 =	vadd.f32 v25, v7  }
0x116: {  	v21 =	vld.idx.msk [tilespmem:v21+s22+$0x0], $0xffff;
	[tilespmem:s28+$0xC0] =	vst v24;
	v24 =	vadd.f32 v28, v7  }
0x117: {  	v22 =	vadd.f32 v22, v4;
	v17 =	vld.idx.msk [tilespmem:v17+s22+$0x0], $0xffff;
	[tilespmem:s28+$0xD0] =	vst v23  }
0x118: {  	v16 =	vadd.f32 v16, v4;
	v14 =	vld.idx.msk [tilespmem:v14+s22+$0x0], $0xffff;
	[tilespmem:s28+$0xE0] =	vst v24  }
0x119: {  	v18 =	vadd.f32 v18, v4;
	[tilespmem:s28+$0x1000] =	vst v22;
	v22 =	vld.idx.msk [tilespmem:v15+s22+$0x0], $0xffff  }
0x11a: {  	v15 =	vadd.f32 v19, v4;
	[tilespmem:s28+$0x1010] =	vst v16;
	v13 =	vld.idx.msk [tilespmem:v13+s22+$0x0], $0xffff  }
.Ltmp3:
0x11b: {  	v16 =	vadd.f32 v20, v4;
	[tilespmem:s28+$0x1020] =	vst v18;
	v12 =	vld.idx.msk [tilespmem:v12+s22+$0x0], $0xffff;
	(pc) =	sbr.rel @p2 .LBB2_5-.Ltmp3, $4  }
0x11c: {  	[tilespmem:s28+$0x1030] =	vst v15;
	v15 =	vadd.f32 v21, v4;
	v11 =	vld.idx.msk [tilespmem:v11+s22+$0x0], $0xffff  }
0x11d: {  	[tilespmem:s28+$0x1040] =	vst v16;
	v16 =	vadd.f32 v17, v4;
	v10 =	vld.idx.msk [tilespmem:v10+s22+$0x0], $0xffff  }
0x11e: {  	[tilespmem:s28+$0x1050] =	vst v15;
	v15 =	vadd.f32 v14, v4;
	v9 =	vld.idx.msk [tilespmem:v9+s22+$0x0], $0xffff  }
0x11f: {  	s31 =	sadd.s32 $0x100, s31;
	v14 =	vadd.f32 v22, v4;
	[tilespmem:s28+$0x1060] =	vst v16;
	v8 =	vld.idx.msk [tilespmem:v8+s22+$0x0], $0xffff  }
0x120: {  	[tilespmem:s28+$0x1070] =	vst v15;
	v5 =	vadd.f32 v13, v4  }
0x121: {  	v6 =	vadd.f32 v12, v4;
	[tilespmem:s28+$0x1080] =	vst v14  }
0x122: {  	p2 =	sgt.u32 s29, $0x95;
	[tilespmem:s28+$0x1090] =	vst v5;
	v5 =	vadd.f32 v11, v4  }
0x123: {  	s29 =	sshll.u32 @!p2 s29, $0x11;
	[tilespmem:s28+$0x10A0] =	vst v6;
	v6 =	vadd.f32 v10, v4  }
0x124: {  	s29 =	sadd.s32 @!p2 s12, s29;
	[tilespmem:s28+$0x10B0] =	vst v5;
	v5 =	vadd.f32 v9, v4  }
0x125: {  	s29 =	sor.u32 @!p2 s8, s29;
	[tilespmem:s28+$0x10C0] =	vst v6;
	v4 =	vadd.f32 v8, v4  }
0x126: {  	s30 =	simm.s32 @!p2 $0x400;
	s29 =	sshrl.u32 @!p2 s29, $0x3;
	[tilespmem:s28+$0x10D0] =	vst v5  }
0x127: {  	s31 =	simm.s32 @!p2 $0xD9C0;
	s29 =	sadd.s32 @!p2 s2, s29;
	[tilespmem:s28+$0x10E0] =	vst v4;
	s28 =	simm.s32 @!p2 $0x80  }
0x128: {  	[hbm4b:s29+s28] =	stream.strided.scatter @!p2 [tilespmem:s31], [sflag:$0x3], $0x1000, s30, s28, $0x38;
	[tilespmem:$0x159C0] =	vst v63  }
0x129: {  	s1 =	simm.s32 @!p2 $0xE9C0;
	s31 =	sadd.s32 @!p2 $0x10, s29  }
0x12a: {  	[hbm4b:s31+s28] =	stream.strided.scatter @!p2 [tilespmem:s1], [sflag:$0x3], $0x1000, s30, s28, $0x38;
	[tilespmem:$0x159C0] =	vst v63  }
0x12b: {  	s1 =	sadd.s32 @!p2 $0x20, s29;
	s31 =	simm.s32 @!p2 $0xF9C0  }
0x12c: {  	[hbm4b:s1+s28] =	stream.strided.scatter @!p2 [tilespmem:s31], [sflag:$0x3], $0x1000, s30, s28, $0x38;
	[tilespmem:$0x159C0] =	vst v63  }
0x12d: {  	s1 =	sadd.s32 @!p2 $0x30, s29;
	s29 =	simm.s32 @!p2 $0x109C0  }
0x12e: {  	[hbm4b:s1+s28] =	stream.strided.scatter @!p2 [tilespmem:s29], [sflag:$0x3], $0x1000, s30, s28, $0x38;
	[tilespmem:$0x159C0] =	vst v63  }
0x12f: {  	p2 =	seq.s32 s25, $0x12  }
0x130: {  	s1 =	sadd.s32 @!p2 s26, s13  }
0x131: {  	s1 =	smin.u32 @!p2 s1, $0x95  }
0x132: {  	s1 =	sshll.u32 @!p2 s1, $0x9  }
0x133: {  	s28 =	simm.s32 @!p2 $0x0;
	s29 =	simm.s32 @!p2 $0xB9C0;
	s1 =	sadd.s32 @!p2 s4, s1  }
0x134: {  	[tilespmem:s29], [sflag:$0x1] =	stream.linear.gather @!p2 [hbm4b:s1+s28], $0x1000, $0x38;
	[tilespmem:$0x159C0] =	vst v63  }
0x135: {  	_ =	swait.ge [sflag:s23], $0x1000  }
0x136: {  	[sflag:s23] =	ssyncset.done $0x0  }
0x137: {  	s1 =	simm.s32 @!p1 $0x4;
	[sflag:s23] =	ssyncadd.s32 $0xFFFFF000  }
0x138: {  	_ =	swait.ge @!p1 [sflag:s1], $0x1000  }
0x139: {  	[sflag:s1] =	ssyncset.done @!p1 $0x0  }
0x13a: {  	[sflag:s1] =	ssyncadd.s32 @!p1 $0xFFFFF000  }
0x13b: {  	_ =	swait.ge @!p1 [sflag:s1], $0x1000  }
0x13c: {  	[sflag:s1] =	ssyncset.done @!p1 $0x0  }
0x13d: {  	[sflag:s1] =	ssyncadd.s32 @!p1 $0xFFFFF000  }
0x13e: {  	_ =	swait.ge @!p1 [sflag:s1], $0x1000  }
0x13f: {  	[sflag:s1] =	ssyncset.done @!p1 $0x0  }
0x140: {  	[sflag:s1] =	ssyncadd.s32 @!p1 $0xFFFFF000  }
0x141: {  	s29 =	sor.u32 $0x1, s26;
	_ =	swait.ge @!p1 [sflag:s1], $0x1000  }
0x142: {  	s28 =	sshll.u32 s29, $0x6;
	[sflag:s1] =	ssyncset.done @!p1 $0x0  }
0x143: {  	[sflag:s1] =	ssyncadd.s32 @!p1 $0xFFFFF000;
	s1 =	sand.u32 $0x3FFFFFC0, s28  }
0x144: {  	v5 =	vld [tilespmem:s1+$0xB040]  }
0x145: {  	v6 =	vld [tilespmem:s1+$0xB050]  }
0x146: {  	v7 =	vld [tilespmem:s1+$0xB060]  }
0x147: {  	v4 =	vld [tilespmem:s1+$0xB070];
	s1 =	simm.s32 $0xCA40  }
0x148: {  	v23 =	vld [tilespmem:s1+$0x70]  }
0x149: {  	v21 =	vld [tilespmem:s1+$0xFFFFFF90]  }
0x14a: {  	v20 =	vld [tilespmem:s1+$0xFFFFFFA0]  }
0x14b: {  	v19 =	vld [tilespmem:s1+$0xFFFFFFB0]  }
0x14c: {  	v18 =	vld [tilespmem:s1+$0xFFFFFFC0]  }
0x14d: {  	v17 =	vld [tilespmem:s1+$0xFFFFFFD0]  }
0x14e: {  	v16 =	vld [tilespmem:s1+$0xFFFFFFE0]  }
0x14f: {  	v15 =	vld [tilespmem:s1+$0xFFFFFFF0]  }
0x150: {  	v14 =	vld [tilespmem:s1+$0x0]  }
0x151: {  	v13 =	vld [tilespmem:s1+$0x10]  }
0x152: {  	v12 =	vld [tilespmem:s1+$0x20]  }
0x153: {  	v11 =	vld [tilespmem:s1+$0x30]  }
0x154: {  	v10 =	vld [tilespmem:s1+$0x40]  }
0x155: {  	v9 =	vld [tilespmem:s1+$0x50]  }
0x156: {  	v22 =	vld [tilespmem:s1+$0xFFFFFF80]  }
0x157: {  	v8 =	vld.idx.msk [tilespmem:v23+s3+$0x0], $0xffff  }
0x158: {  	v25 =	vld.idx.msk [tilespmem:v21+s3+$0x0], $0xffff  }
0x159: {  	v26 =	vld.idx.msk [tilespmem:v20+s3+$0x0], $0xffff  }
0x15a: {  	v27 =	vld.idx.msk [tilespmem:v19+s3+$0x0], $0xffff  }
0x15b: {  	v28 =	vld.idx.msk [tilespmem:v18+s3+$0x0], $0xffff  }
0x15c: {  	v29 =	vld.idx.msk [tilespmem:v17+s3+$0x0], $0xffff  }
0x15d: {  	v30 =	vld.idx.msk [tilespmem:v16+s3+$0x0], $0xffff  }
0x15e: {  	v31 =	vld.idx.msk [tilespmem:v22+s3+$0x0], $0xffff;
	v24 =	vadd.f32 v8, v5  }
0x15f: {  	s28 =	simm.s32 $0x139C0;
	v32 =	vld.idx.msk [tilespmem:v15+s3+$0x0], $0xffff;
	v25 =	vadd.f32 v25, v5  }
0x160: {  	v51 =	vld.idx.msk [tilespmem:v14+s3+$0x0], $0xffff;
	v26 =	vadd.f32 v26, v5;
	[tilespmem:s28+$0xFFFFE0F0] =	vst v24  }
0x161: {  	v53 =	vld.idx.msk [tilespmem:v13+s3+$0x0], $0xffff;
	v48 =	vadd.f32 v27, v5;
	[tilespmem:s28+$0xFFFFE010] =	vst v25  }
0x162: {  	v55 =	vld.idx.msk [tilespmem:v12+s3+$0x0], $0xffff;
	v50 =	vadd.f32 v28, v5;
	[tilespmem:s28+$0xFFFFE020] =	vst v26  }
0x163: {  	v57 =	vld.idx.msk [tilespmem:v11+s3+$0x0], $0xffff;
	v52 =	vadd.f32 v29, v5;
	[tilespmem:s28+$0xFFFFE030] =	vst v48  }
0x164: {  	v59 =	vld.idx.msk [tilespmem:v10+s3+$0x0], $0xffff;
	v54 =	vadd.f32 v30, v5;
	[tilespmem:s28+$0xFFFFE040] =	vst v50  }
0x165: {  	v60 =	vld.idx.msk [tilespmem:v9+s3+$0x0], $0xffff;
	v56 =	vadd.f32 v31, v5;
	[tilespmem:s28+$0xFFFFE050] =	vst v52  }
0x166: {  	v8 =	vld [tilespmem:s1+$0x60];
	v58 =	vadd.f32 v32, v5;
	[tilespmem:s28+$0xFFFFE060] =	vst v54  }
0x167: {  	v61 =	vadd.f32 v51, v5;
	[tilespmem:s28+$0xFFFFE000] =	vst v56;
	v24 =	vld.idx.msk [tilespmem:v23+s20+$0x0], $0xffff  }
0x168: {  	v28 =	vadd.f32 v53, v5;
	[tilespmem:s28+$0xFFFFE070] =	vst v58;
	v63 =	vld.idx.msk [tilespmem:v22+s20+$0x0], $0xffff  }
0x169: {  	v33 =	vadd.f32 v55, v5;
	[tilespmem:s28+$0xFFFFE080] =	vst v61;
	v34 =	vld.idx.msk [tilespmem:v21+s20+$0x0], $0xffff  }
0x16a: {  	v36 =	vadd.f32 v59, v5;
	[tilespmem:s28+$0xFFFFE090] =	vst v28;
	v35 =	vld.idx.msk [tilespmem:v20+s20+$0x0], $0xffff  }
0x16b: {  	v38 =	vadd.f32 v60, v5;
	[tilespmem:s28+$0xFFFFE0A0] =	vst v33;
	v37 =	vld.idx.msk [tilespmem:v19+s20+$0x0], $0xffff  }
0x16c: {  	[tilespmem:s28+$0xFFFFE0C0] =	vst v36;
	v39 =	vld.idx.msk [tilespmem:v18+s20+$0x0], $0xffff;
	v24 =	vadd.f32 v24, v6  }
0x16d: {  	[tilespmem:s28+$0xFFFFE0D0] =	vst v38;
	v42 =	vld.idx.msk [tilespmem:v17+s20+$0x0], $0xffff;
	v41 =	vadd.f32 v63, v6  }
0x16e: {  	v45 =	vld.idx.msk [tilespmem:v15+s20+$0x0], $0xffff;
	v44 =	vadd.f32 v34, v6;
	[tilespmem:s28+$0xFFFFF0F0] =	vst v24  }
0x16f: {  	v54 =	vld.idx.msk [tilespmem:v10+s20+$0x0], $0xffff;
	v46 =	vadd.f32 v35, v6;
	[tilespmem:s28+$0xFFFFF000] =	vst v41  }
0x170: {  	v56 =	vld.idx.msk [tilespmem:v9+s20+$0x0], $0xffff;
	v48 =	vadd.f32 v37, v6;
	[tilespmem:s28+$0xFFFFF010] =	vst v44  }
0x171: {  	v43 =	vld.idx.msk [tilespmem:v16+s20+$0x0], $0xffff;
	v50 =	vadd.f32 v39, v6;
	[tilespmem:s28+$0xFFFFF020] =	vst v46  }
0x172: {  	v47 =	vld.idx.msk [tilespmem:v14+s20+$0x0], $0xffff;
	v52 =	vadd.f32 v42, v6;
	[tilespmem:s28+$0xFFFFF030] =	vst v48  }
0x173: {  	v51 =	vld.idx.msk [tilespmem:v12+s20+$0x0], $0xffff;
	v55 =	vadd.f32 v45, v6;
	[tilespmem:s28+$0xFFFFF040] =	vst v50  }
0x174: {  	v62 =	vld.idx.msk [tilespmem:v8+s3+$0x0], $0xffff;
	v35 =	vadd.f32 v54, v6;
	[tilespmem:s28+$0xFFFFF050] =	vst v52  }
0x175: {  	v37 =	vadd.f32 v56, v6;
	[tilespmem:s28+$0xFFFFF070] =	vst v55;
	v49 =	vld.idx.msk [tilespmem:v23+s21+$0x0], $0xffff  }
0x176: {  	v24 =	vadd.f32 v57, v5;
	[tilespmem:s28+$0xFFFFF0C0] =	vst v35;
	v59 =	vld.idx.msk [tilespmem:v22+s21+$0x0], $0xffff  }
0x177: {  	v57 =	vadd.f32 v47, v6;
	[tilespmem:s28+$0xFFFFF0D0] =	vst v37;
	v61 =	vld.idx.msk [tilespmem:v21+s21+$0x0], $0xffff  }
0x178: {  	v63 =	vld.idx.msk [tilespmem:v20+s21+$0x0], $0xffff;
	[tilespmem:s28+$0xFFFFE0B0] =	vst v24;
	v24 =	vadd.f32 v43, v6  }
0x179: {  	v34 =	vld.idx.msk [tilespmem:v19+s21+$0x0], $0xffff;
	[tilespmem:s28+$0xFFFFF080] =	vst v57;
	v40 =	vadd.f32 v62, v5  }
0x17a: {  	v36 =	vld.idx.msk [tilespmem:v18+s21+$0x0], $0xffff;
	v62 =	vadd.f32 v51, v6;
	[tilespmem:s28+$0xFFFFF060] =	vst v24  }
0x17b: {  	v38 =	vld.idx.msk [tilespmem:v17+s21+$0x0], $0xffff;
	[tilespmem:s28+$0xFFFFE0E0] =	vst v40;
	v25 =	vadd.f32 v49, v7  }
0x17c: {  	v55 =	vld.idx.msk [tilespmem:v9+s21+$0x0], $0xffff;
	[tilespmem:s28+$0xFFFFF0A0] =	vst v62;
	v40 =	vadd.f32 v59, v7  }
0x17d: {  	v43 =	vld.idx.msk [tilespmem:v15+s21+$0x0], $0xffff;
	v42 =	vadd.f32 v61, v7;
	[tilespmem:s28+$0xF0] =	vst v25  }
0x17e: {  	v53 =	vld.idx.msk [tilespmem:v11+s20+$0x0], $0xffff;
	v44 =	vadd.f32 v63, v7;
	[tilespmem:s28+$0x0] =	vst v40  }
0x17f: {  	v45 =	vld.idx.msk [tilespmem:v14+s21+$0x0], $0xffff;
	v46 =	vadd.f32 v34, v7;
	[tilespmem:s28+$0x10] =	vst v42  }
0x180: {  	v41 =	vld.idx.msk [tilespmem:v16+s21+$0x0], $0xffff;
	v48 =	vadd.f32 v36, v7;
	[tilespmem:s28+$0x20] =	vst v44  }
0x181: {  	v49 =	vld.idx.msk [tilespmem:v13+s20+$0x0], $0xffff;
	v50 =	vadd.f32 v38, v7;
	[tilespmem:s28+$0x30] =	vst v46  }
0x182: {  	v58 =	vld.idx.msk [tilespmem:v8+s20+$0x0], $0xffff;
	v62 =	vadd.f32 v55, v7;
	[tilespmem:s28+$0x40] =	vst v48  }
0x183: {  	v54 =	vadd.f32 v43, v7;
	v33 =	vadd.f32 v53, v6;
	v53 =	vld.idx.msk [tilespmem:v10+s21+$0x0], $0xffff;
	[tilespmem:s28+$0x50] =	vst v50  }
0x184: {  	[tilespmem:s28+$0xD0] =	vst v62;
	v23 =	vld.idx.msk [tilespmem:v23+s22+$0x0], $0xffff  }
0x185: {  	v56 =	vadd.f32 v45, v7;
	v22 =	vld.idx.msk [tilespmem:v22+s22+$0x0], $0xffff;
	[tilespmem:s28+$0x70] =	vst v54  }
0x186: {  	v21 =	vld.idx.msk [tilespmem:v21+s22+$0x0], $0xffff;
	[tilespmem:s28+$0xFFFFF0B0] =	vst v33;
	v52 =	vadd.f32 v41, v7  }
0x187: {  	v20 =	vld.idx.msk [tilespmem:v20+s22+$0x0], $0xffff;
	[tilespmem:s28+$0x80] =	vst v56;
	v60 =	vadd.f32 v49, v6  }
0x188: {  	v19 =	vld.idx.msk [tilespmem:v19+s22+$0x0], $0xffff;
	v39 =	vadd.f32 v58, v6;
	[tilespmem:s28+$0x60] =	vst v52  }
0x189: {  	v18 =	vld.idx.msk [tilespmem:v18+s22+$0x0], $0xffff;
	[tilespmem:s28+$0xFFFFF090] =	vst v60;
	v61 =	vadd.f32 v53, v7  }
0x18a: {  	v17 =	vld.idx.msk [tilespmem:v17+s22+$0x0], $0xffff;
	[tilespmem:s28+$0xFFFFF0E0] =	vst v39;
	v23 =	vadd.f32 v23, v4  }
0x18b: {  	v47 =	vld.idx.msk [tilespmem:v13+s21+$0x0], $0xffff;
	v22 =	vadd.f32 v22, v4;
	[tilespmem:s28+$0xC0] =	vst v61  }
0x18c: {  	v49 =	vld.idx.msk [tilespmem:v12+s21+$0x0], $0xffff;
	v21 =	vadd.f32 v21, v4;
	[tilespmem:s28+$0x10F0] =	vst v23  }
0x18d: {  	v51 =	vld.idx.msk [tilespmem:v11+s21+$0x0], $0xffff;
	v20 =	vadd.f32 v20, v4;
	[tilespmem:s28+$0x1000] =	vst v22  }
0x18e: {  	v9 =	vld.idx.msk [tilespmem:v9+s22+$0x0], $0xffff;
	v19 =	vadd.f32 v19, v4;
	[tilespmem:s28+$0x1010] =	vst v21  }
0x18f: {  	v57 =	vld.idx.msk [tilespmem:v8+s21+$0x0], $0xffff;
	v18 =	vadd.f32 v18, v4;
	[tilespmem:s28+$0x1020] =	vst v20  }
0x190: {  	v16 =	vld.idx.msk [tilespmem:v16+s22+$0x0], $0xffff;
	[tilespmem:s28+$0x1030] =	vst v19;
	v58 =	vadd.f32 v47, v7  }
0x191: {  	v15 =	vld.idx.msk [tilespmem:v15+s22+$0x0], $0xffff;
	v59 =	vadd.f32 v49, v7;
	[tilespmem:s28+$0x1040] =	vst v18  }
0x192: {  	v14 =	vld.idx.msk [tilespmem:v14+s22+$0x0], $0xffff;
	v60 =	vadd.f32 v51, v7;
	[tilespmem:s28+$0x90] =	vst v58  }
0x193: {  	v17 =	vadd.f32 v17, v4;
	[tilespmem:s28+$0xA0] =	vst v59;
	v13 =	vld.idx.msk [tilespmem:v13+s22+$0x0], $0xffff  }
0x194: {  	[tilespmem:s28+$0xB0] =	vst v60;
	v63 =	vadd.f32 v57, v7;
	v12 =	vld.idx.msk [tilespmem:v12+s22+$0x0], $0xffff  }
0x195: {  	[tilespmem:s28+$0x1050] =	vst v17;
	v16 =	vadd.f32 v16, v4;
	v11 =	vld.idx.msk [tilespmem:v11+s22+$0x0], $0xffff  }
0x196: {  	v15 =	vadd.f32 v15, v4;
	v10 =	vld.idx.msk [tilespmem:v10+s22+$0x0], $0xffff;
	[tilespmem:s28+$0xE0] =	vst v63  }
0x197: {  	s31 =	simm.s32 $0xCB40;
	s30 =	simm.s32 $0x0;
	s29 =	sadd.s32 s6, s29;
	v14 =	vadd.f32 v14, v4;
	[tilespmem:s28+$0x1060] =	vst v16;
	v8 =	vld.idx.msk [tilespmem:v8+s22+$0x0], $0xffff  }
.LBB2_7:
0x198: {  	v23 =	vld [tilespmem:s31+$0x70];
	s30 =	sadd.s32 $0x10, s30;
	[tilespmem:s28+$0x1070] =	vst v15;
	v13 =	vadd.f32 v13, v4  }
0x199: {  	v12 =	vadd.f32 v12, v4;
	v16 =	vld [tilespmem:s31+$0xFFFFFF90];
	p1 =	slt.u32 s30, $0xF0;
	[tilespmem:s28+$0x1080] =	vst v14  }
0x19a: {  	v11 =	vadd.f32 v11, v4;
	v18 =	vld [tilespmem:s31+$0xFFFFFFA0];
	[tilespmem:s28+$0x1090] =	vst v13  }
0x19b: {  	v10 =	vadd.f32 v10, v4;
	v19 =	vld [tilespmem:s31+$0xFFFFFFB0];
	[tilespmem:s28+$0x10A0] =	vst v12  }
0x19c: {  	v9 =	vadd.f32 v9, v4;
	v20 =	vld [tilespmem:s31+$0xFFFFFFC0];
	[tilespmem:s28+$0x10B0] =	vst v11  }
0x19d: {  	v8 =	vadd.f32 v8, v4;
	v21 =	vld [tilespmem:s31+$0xFFFFFFD0];
	[tilespmem:s28+$0x10C0] =	vst v10  }
0x19e: {  	v17 =	vld [tilespmem:s31+$0xFFFFFFE0];
	[tilespmem:s28+$0x10D0] =	vst v9  }
0x19f: {  	v14 =	vld [tilespmem:s31+$0xFFFFFFF0];
	[tilespmem:s28+$0x10E0] =	vst v8  }
0x1a0: {  	v8 =	vld.idx.msk [tilespmem:v23+s3+$0x0], $0xffff  }
0x1a1: {  	v15 =	vld [tilespmem:s31+$0x0]  }
0x1a2: {  	v13 =	vld [tilespmem:s31+$0x10]  }
0x1a3: {  	v12 =	vld [tilespmem:s31+$0x20]  }
0x1a4: {  	v11 =	vld [tilespmem:s31+$0x30]  }
0x1a5: {  	v10 =	vld [tilespmem:s31+$0x40]  }
0x1a6: {  	v24 =	vadd.f32 v8, v5;
	v9 =	vld [tilespmem:s31+$0x50]  }
0x1a7: {  	s28 =	sadd.s32 $0x100, s28;
	v8 =	vld [tilespmem:s31+$0x60]  }
0x1a8: {  	v22 =	vld [tilespmem:s31+$0xFFFFFF80];
	[tilespmem:s28+$0xFFFFE0F0] =	vst v24  }
0x1a9: {  	v24 =	vld.idx.msk [tilespmem:v23+s20+$0x0], $0xffff  }
0x1aa: {  	v25 =	vld.idx.msk [tilespmem:v16+s3+$0x0], $0xffff  }
0x1ab: {  	v26 =	vld.idx.msk [tilespmem:v18+s3+$0x0], $0xffff  }
0x1ac: {  	v27 =	vld.idx.msk [tilespmem:v19+s3+$0x0], $0xffff  }
0x1ad: {  	v28 =	vld.idx.msk [tilespmem:v20+s3+$0x0], $0xffff  }
0x1ae: {  	v29 =	vld.idx.msk [tilespmem:v21+s3+$0x0], $0xffff  }
0x1af: {  	v24 =	vadd.f32 v24, v6;
	v30 =	vld.idx.msk [tilespmem:v17+s3+$0x0], $0xffff  }
0x1b0: {  	v25 =	vadd.f32 v25, v5;
	v31 =	vld.idx.msk [tilespmem:v22+s3+$0x0], $0xffff  }
0x1b1: {  	v26 =	vadd.f32 v26, v5;
	v32 =	vld.idx.msk [tilespmem:v14+s3+$0x0], $0xffff;
	[tilespmem:s28+$0xFFFFF0F0] =	vst v24  }
0x1b2: {  	v24 =	vadd.f32 v27, v5;
	[tilespmem:s28+$0xFFFFE010] =	vst v25;
	v25 =	vld.idx.msk [tilespmem:v23+s21+$0x0], $0xffff  }
0x1b3: {  	[tilespmem:s28+$0xFFFFE020] =	vst v26;
	v26 =	vadd.f32 v28, v5;
	v27 =	vld.idx.msk [tilespmem:v15+s3+$0x0], $0xffff  }
0x1b4: {  	[tilespmem:s28+$0xFFFFE030] =	vst v24;
	v24 =	vadd.f32 v29, v5;
	v28 =	vld.idx.msk [tilespmem:v13+s3+$0x0], $0xffff  }
0x1b5: {  	[tilespmem:s28+$0xFFFFE040] =	vst v26;
	v26 =	vadd.f32 v30, v5;
	v29 =	vld.idx.msk [tilespmem:v12+s3+$0x0], $0xffff  }
0x1b6: {  	v30 =	vadd.f32 v31, v5;
	[tilespmem:s28+$0xFFFFE050] =	vst v24;
	v24 =	vld.idx.msk [tilespmem:v11+s3+$0x0], $0xffff  }
0x1b7: {  	[tilespmem:s28+$0xFFFFE060] =	vst v26;
	v26 =	vadd.f32 v32, v5;
	v31 =	vld.idx.msk [tilespmem:v10+s3+$0x0], $0xffff  }
0x1b8: {  	v25 =	vadd.f32 v25, v7;
	[tilespmem:s28+$0xFFFFE000] =	vst v30;
	v30 =	vld.idx.msk [tilespmem:v9+s3+$0x0], $0xffff  }
0x1b9: {  	[tilespmem:s28+$0xFFFFE070] =	vst v26;
	v26 =	vadd.f32 v27, v5;
	v27 =	vld.idx.msk [tilespmem:v8+s3+$0x0], $0xffff  }
0x1ba: {  	v28 =	vadd.f32 v28, v5;
	v32 =	vld.idx.msk [tilespmem:v22+s20+$0x0], $0xffff;
	[tilespmem:s28+$0xF0] =	vst v25  }
0x1bb: {  	v25 =	vadd.f32 v29, v5;
	[tilespmem:s28+$0xFFFFE080] =	vst v26;
	v23 =	vld.idx.msk [tilespmem:v23+s22+$0x0], $0xffff  }
0x1bc: {  	v24 =	vadd.f32 v24, v5;
	v26 =	vld.idx.msk [tilespmem:v16+s20+$0x0], $0xffff;
	[tilespmem:s28+$0xFFFFE090] =	vst v28  }
0x1bd: {  	v28 =	vld.idx.msk [tilespmem:v18+s20+$0x0], $0xffff;
	[tilespmem:s28+$0xFFFFE0A0] =	vst v25;
	v25 =	vadd.f32 v31, v5  }
0x1be: {  	v29 =	vld.idx.msk [tilespmem:v19+s20+$0x0], $0xffff;
	[tilespmem:s28+$0xFFFFE0B0] =	vst v24;
	v24 =	vadd.f32 v30, v5  }
0x1bf: {  	v30 =	vld.idx.msk [tilespmem:v20+s20+$0x0], $0xffff;
	[tilespmem:s28+$0xFFFFE0C0] =	vst v25;
	v25 =	vadd.f32 v27, v5  }
0x1c0: {  	v27 =	vadd.f32 v32, v6;
	v31 =	vld.idx.msk [tilespmem:v21+s20+$0x0], $0xffff;
	[tilespmem:s28+$0xFFFFE0D0] =	vst v24  }
0x1c1: {  	v23 =	vadd.f32 v23, v4;
	v24 =	vld.idx.msk [tilespmem:v17+s20+$0x0], $0xffff;
	[tilespmem:s28+$0xFFFFE0E0] =	vst v25  }
0x1c2: {  	v25 =	vadd.f32 v26, v6;
	[tilespmem:s28+$0xFFFFF000] =	vst v27;
	v26 =	vld.idx.msk [tilespmem:v14+s20+$0x0], $0xffff  }
0x1c3: {  	v27 =	vadd.f32 v28, v6;
	v28 =	vld.idx.msk [tilespmem:v15+s20+$0x0], $0xffff;
	[tilespmem:s28+$0x10F0] =	vst v23  }
0x1c4: {  	v23 =	vadd.f32 v29, v6;
	[tilespmem:s28+$0xFFFFF010] =	vst v25;
	v25 =	vld.idx.msk [tilespmem:v13+s20+$0x0], $0xffff  }
0x1c5: {  	[tilespmem:s28+$0xFFFFF020] =	vst v27;
	v27 =	vadd.f32 v30, v6;
	v29 =	vld.idx.msk [tilespmem:v12+s20+$0x0], $0xffff  }
0x1c6: {  	[tilespmem:s28+$0xFFFFF030] =	vst v23;
	v23 =	vadd.f32 v31, v6;
	v30 =	vld.idx.msk [tilespmem:v11+s20+$0x0], $0xffff  }
0x1c7: {  	v24 =	vadd.f32 v24, v6;
	[tilespmem:s28+$0xFFFFF040] =	vst v27;
	v27 =	vld.idx.msk [tilespmem:v10+s20+$0x0], $0xffff  }
0x1c8: {  	[tilespmem:s28+$0xFFFFF050] =	vst v23;
	v23 =	vadd.f32 v26, v6;
	v26 =	vld.idx.msk [tilespmem:v9+s20+$0x0], $0xffff  }
0x1c9: {  	[tilespmem:s28+$0xFFFFF060] =	vst v24;
	v24 =	vadd.f32 v28, v6;
	v28 =	vld.idx.msk [tilespmem:v8+s20+$0x0], $0xffff  }
0x1ca: {  	v31 =	vld.idx.msk [tilespmem:v22+s21+$0x0], $0xffff;
	[tilespmem:s28+$0xFFFFF070] =	vst v23;
	v23 =	vadd.f32 v25, v6  }
0x1cb: {  	v25 =	vld.idx.msk [tilespmem:v16+s21+$0x0], $0xffff;
	[tilespmem:s28+$0xFFFFF080] =	vst v24;
	v24 =	vadd.f32 v29, v6  }
0x1cc: {  	v29 =	vld.idx.msk [tilespmem:v18+s21+$0x0], $0xffff;
	[tilespmem:s28+$0xFFFFF090] =	vst v23;
	v23 =	vadd.f32 v30, v6  }
0x1cd: {  	v30 =	vld.idx.msk [tilespmem:v19+s21+$0x0], $0xffff;
	[tilespmem:s28+$0xFFFFF0A0] =	vst v24;
	v24 =	vadd.f32 v27, v6  }
0x1ce: {  	v27 =	vld.idx.msk [tilespmem:v20+s21+$0x0], $0xffff;
	[tilespmem:s28+$0xFFFFF0B0] =	vst v23;
	v23 =	vadd.f32 v26, v6  }
0x1cf: {  	v26 =	vld.idx.msk [tilespmem:v21+s21+$0x0], $0xffff;
	[tilespmem:s28+$0xFFFFF0C0] =	vst v24;
	v24 =	vadd.f32 v28, v6  }
0x1d0: {  	v28 =	vadd.f32 v31, v7;
	v31 =	vld.idx.msk [tilespmem:v17+s21+$0x0], $0xffff;
	[tilespmem:s28+$0xFFFFF0D0] =	vst v23  }
0x1d1: {  	v23 =	vadd.f32 v25, v7;
	v25 =	vld.idx.msk [tilespmem:v14+s21+$0x0], $0xffff;
	[tilespmem:s28+$0xFFFFF0E0] =	vst v24  }
0x1d2: {  	v24 =	vadd.f32 v29, v7;
	[tilespmem:s28+$0x0] =	vst v28;
	v28 =	vld.idx.msk [tilespmem:v15+s21+$0x0], $0xffff  }
0x1d3: {  	[tilespmem:s28+$0x10] =	vst v23;
	v23 =	vadd.f32 v30, v7;
	v29 =	vld.idx.msk [tilespmem:v13+s21+$0x0], $0xffff  }
0x1d4: {  	[tilespmem:s28+$0x20] =	vst v24;
	v24 =	vadd.f32 v27, v7;
	v27 =	vld.idx.msk [tilespmem:v12+s21+$0x0], $0xffff  }
0x1d5: {  	[tilespmem:s28+$0x30] =	vst v23;
	v23 =	vadd.f32 v26, v7;
	v26 =	vld.idx.msk [tilespmem:v11+s21+$0x0], $0xffff  }
0x1d6: {  	[tilespmem:s28+$0x40] =	vst v24;
	v24 =	vadd.f32 v31, v7;
	v30 =	vld.idx.msk [tilespmem:v10+s21+$0x0], $0xffff  }
0x1d7: {  	[tilespmem:s28+$0x50] =	vst v23;
	v23 =	vadd.f32 v25, v7;
	v25 =	vld.idx.msk [tilespmem:v9+s21+$0x0], $0xffff  }
0x1d8: {  	[tilespmem:s28+$0x60] =	vst v24;
	v24 =	vadd.f32 v28, v7;
	v28 =	vld.idx.msk [tilespmem:v8+s21+$0x0], $0xffff  }
0x1d9: {  	v22 =	vld.idx.msk [tilespmem:v22+s22+$0x0], $0xffff;
	[tilespmem:s28+$0x70] =	vst v23;
	v23 =	vadd.f32 v29, v7  }
0x1da: {  	v16 =	vld.idx.msk [tilespmem:v16+s22+$0x0], $0xffff;
	[tilespmem:s28+$0x80] =	vst v24;
	v24 =	vadd.f32 v27, v7  }
0x1db: {  	v18 =	vld.idx.msk [tilespmem:v18+s22+$0x0], $0xffff;
	[tilespmem:s28+$0x90] =	vst v23;
	v23 =	vadd.f32 v26, v7  }
0x1dc: {  	v19 =	vld.idx.msk [tilespmem:v19+s22+$0x0], $0xffff;
	[tilespmem:s28+$0xA0] =	vst v24;
	v24 =	vadd.f32 v30, v7  }
0x1dd: {  	v20 =	vld.idx.msk [tilespmem:v20+s22+$0x0], $0xffff;
	[tilespmem:s28+$0xB0] =	vst v23;
	v23 =	vadd.f32 v25, v7  }
0x1de: {  	v21 =	vld.idx.msk [tilespmem:v21+s22+$0x0], $0xffff;
	[tilespmem:s28+$0xC0] =	vst v24;
	v24 =	vadd.f32 v28, v7  }
0x1df: {  	v22 =	vadd.f32 v22, v4;
	v17 =	vld.idx.msk [tilespmem:v17+s22+$0x0], $0xffff;
	[tilespmem:s28+$0xD0] =	vst v23  }
0x1e0: {  	v16 =	vadd.f32 v16, v4;
	v14 =	vld.idx.msk [tilespmem:v14+s22+$0x0], $0xffff;
	[tilespmem:s28+$0xE0] =	vst v24  }
0x1e1: {  	v18 =	vadd.f32 v18, v4;
	[tilespmem:s28+$0x1000] =	vst v22;
	v22 =	vld.idx.msk [tilespmem:v15+s22+$0x0], $0xffff  }
0x1e2: {  	v15 =	vadd.f32 v19, v4;
	[tilespmem:s28+$0x1010] =	vst v16;
	v13 =	vld.idx.msk [tilespmem:v13+s22+$0x0], $0xffff  }
.Ltmp4:
0x1e3: {  	v16 =	vadd.f32 v20, v4;
	[tilespmem:s28+$0x1020] =	vst v18;
	v12 =	vld.idx.msk [tilespmem:v12+s22+$0x0], $0xffff;
	(pc) =	sbr.rel @p1 .LBB2_7-.Ltmp4, $4  }
0x1e4: {  	[tilespmem:s28+$0x1030] =	vst v15;
	v15 =	vadd.f32 v21, v4;
	v11 =	vld.idx.msk [tilespmem:v11+s22+$0x0], $0xffff  }
0x1e5: {  	[tilespmem:s28+$0x1040] =	vst v16;
	v16 =	vadd.f32 v17, v4;
	v10 =	vld.idx.msk [tilespmem:v10+s22+$0x0], $0xffff  }
0x1e6: {  	[tilespmem:s28+$0x1050] =	vst v15;
	v15 =	vadd.f32 v14, v4;
	v9 =	vld.idx.msk [tilespmem:v9+s22+$0x0], $0xffff  }
0x1e7: {  	s31 =	sadd.s32 $0x100, s31;
	v14 =	vadd.f32 v22, v4;
	[tilespmem:s28+$0x1060] =	vst v16;
	v8 =	vld.idx.msk [tilespmem:v8+s22+$0x0], $0xffff  }
0x1e8: {  	[tilespmem:s28+$0x1070] =	vst v15;
	v5 =	vadd.f32 v13, v4  }
0x1e9: {  	v6 =	vadd.f32 v12, v4;
	[tilespmem:s28+$0x1080] =	vst v14  }
0x1ea: {  	p1 =	sgt.u32 s29, $0x95;
	[tilespmem:s28+$0x1090] =	vst v5;
	v5 =	vadd.f32 v11, v4  }
0x1eb: {  	s1 =	sshll.u32 @!p1 s29, $0x11;
	[tilespmem:s28+$0x10A0] =	vst v6;
	v63 =	vadd.f32 v10, v4  }
0x1ec: {  	s1 =	sadd.s32 @!p1 s12, s1;
	[tilespmem:s28+$0x10B0] =	vst v5;
	v5 =	vadd.f32 v9, v4  }
0x1ed: {  	s1 =	sor.u32 @!p1 s8, s1;
	[tilespmem:s28+$0x10C0] =	vst v63;
	v4 =	vadd.f32 v8, v4  }
0x1ee: {  	s29 =	simm.s32 @!p1 $0x400;
	s1 =	sshrl.u32 @!p1 s1, $0x3;
	[tilespmem:s28+$0x10D0] =	vst v5  }
0x1ef: {  	s30 =	simm.s32 @!p1 $0x119C0;
	s1 =	sadd.s32 @!p1 s2, s1;
	[tilespmem:s28+$0x10E0] =	vst v4;
	s28 =	simm.s32 @!p1 $0x80  }
0x1f0: {  	[hbm4b:s1+s28] =	stream.strided.scatter @!p1 [tilespmem:s30], [sflag:$0x4], $0x1000, s29, s28, $0x38;
	[tilespmem:$0x159C0] =	vst v63  }
0x1f1: {  	s31 =	simm.s32 @!p1 $0x129C0;
	s30 =	sadd.s32 @!p1 $0x10, s1  }
0x1f2: {  	[hbm4b:s30+s28] =	stream.strided.scatter @!p1 [tilespmem:s31], [sflag:$0x4], $0x1000, s29, s28, $0x38;
	[tilespmem:$0x159C0] =	vst v63  }
.Ltmp5:
0x1f3: {  	_ = 	snop;
	(pc) =	sbr.rel @p2 .LBB2_10-.Ltmp5, $4  }
0x1f4: {  	s30 =	sadd.s32 @!p1 $0x20, s1;
	s31 =	simm.s32 @!p1 $0x139C0  }
0x1f5: {  	[hbm4b:s30+s28] =	stream.strided.scatter @!p1 [tilespmem:s31], [sflag:$0x4], $0x1000, s29, s28, $0x38;
	[tilespmem:$0x159C0] =	vst v63  }
0x1f6: {  	s1 =	sadd.s32 @!p1 $0x30, s1;
	s30 =	simm.s32 @!p1 $0x149C0  }
0x1f7: {  	[hbm4b:s1+s28] =	stream.strided.scatter @!p1 [tilespmem:s30], [sflag:$0x4], $0x1000, s29, s28, $0x38;
	[tilespmem:$0x159C0] =	vst v63  }
.Ltmp6:
0x1f8: {  	s1 =	sadd.s32 s26, s14;
	(pc) =	sbr.rel .LBB2_4-.Ltmp6, $4  }
0x1f9: {  	s1 =	smin.u32 s1, $0x95  }
0x1fa: {  	s1 =	sshll.u32 s1, $0x9  }
0x1fb: {  	s25 =	sadd.s32 $0x1, s25;
	s1 =	sadd.s32 s4, s1  }
0x1fc: {  	[tilespmem:s19], [sflag:$0x2] =	stream.linear.gather [hbm4b:s1+s3], $0x1000, $0x38;
	[tilespmem:$0x159C0] =	vst v63  }
.LBB2_11:
0x1fd: {  	_ =	sfence.sel $0x180000  }
0x1fe: {  	[bflag:$0x0] =	sbarrier.arrive $0xFFFF  }
0x1ff: {  	_ =	strace $0x90000047  }
0x200: {  	[bflag:$0x2] =	sbarrier.arrive $0xFFFF  }
0x201: {  	p0 =	sne.s32 s0, $0x0;
	s0 =	rddreg [dreg:$0x2]  }
0x202: {  	s0 =	sadd.s32 @!p0 $0x100000, s0  }
0x203: {  	[sflag:s0] =	ssyncadd.tile.s32 @!p0 $0x1;
	_ =	shalt  }
.Lfunc_end2:
_tile_overlayer_lowered:
.L_overlay_start_2:
0x204: {  	(tag) =	ssettag $0x2  }
0x205: {  	s0 =	rddreg [dreg:$0x0];
	s2 =	stileid.u32  }
0x206: {  	s1 =	rddreg [dreg:$0x1];
	p0 =	sne.s32 s2, $0x0  }
0x207: {  	s3 =	rddreg [dreg:$0x2];
	[bflag:$0x3] =	sbarrier.arrive $0xFFFF;
	s2 =	simm.s32 @!p0 $0x1C05  }
0x208: {  	[timem:s3], [sflag:s2] =	dma.local @!p0 [hbm:s0], s1  }
0x209: {  	s0 =	simm.s32 @!p0 $0x5  }
0x20a: {  	_ =	swait.ge @!p0 [sflag:s0], s1  }
0x20b: {  	s1 =	ssub.s32 @!p0 $0x0, s1;
	[sflag:s0] =	ssyncset.done @!p0 $0x0  }
0x20c: {  	[sflag:s0] =	ssyncadd.s32 @!p0 s1  }
0x20d: {  	[bflag:$0x3] =	sbarrier.arrive $0xFFFF  }
0x20e: {  	_ =	shalt  }

</sc_bundles>
